<compile_context>
chip_gen: v7x
topology: tpu7x:2x2x1
jax: 0.10.2.dev20260603
libtpu: 0.0.44.dev20260713+nightly
codegen_flags: <defaults>
</compile_context>

<pallas_src>
import functools

import jax
import jax.numpy as jnp
from jax import lax
from jax.experimental import pallas as pl
from jax.experimental.pallas import tpu as pltpu
from jax.experimental.pallas import tpu_sc as plsc

F = 26
V = 100000
B = 4096
E = 64
TOTAL_EPOCHS = 50.0

NC, NS = 2, 16
NW = NC * NS
TOK = B * F
PER_W = TOK // NW
CH = 128
NCH = PER_W // CH

FB = 2
HEAD = (F * V) // 1024 * 1024
NTAIL = F * V - HEAD


def _sc_gather(head, idx):
    mesh = plsc.VectorSubcoreMesh(core_axis_name="c", subcore_axis_name="s",
                                  num_cores=NC, num_subcores=NS)

    @functools.partial(
        pl.kernel,
        out_type=jax.ShapeDtypeStruct((TOK,), jnp.float32),
        mesh=mesh,
        scratch_types=[
            pltpu.VMEM((NCH, CH), jnp.int32),
            pltpu.VMEM((NCH, CH), jnp.float32),
            pltpu.SemaphoreType.DMA,
            pltpu.SemaphoreType.DMA,
        ],
    )
    def k(head_hbm, idx_hbm, out_hbm, idx_v, val_v, sem, sem2):
        wid = lax.axis_index("s") * NC + lax.axis_index("c")
        pltpu.sync_copy(idx_hbm.at[wid], idx_v)
        outs = []
        for j in range(NCH):
            outs.append(pltpu.async_copy(
                val_v.at[j], out_hbm.at[pl.ds((wid + j * NW) * CH, CH)], sem2))
        for d in outs:
            d.wait()

    return k(head, idx)


def _tc_scale_mul(xt, g, io_t, tl, t):
    last = F // FB - 1

    def body(t_ref, x_ref, g_ref, io_ref, tl_ref, o_ref, tv_ref):
        i = pl.program_id(0)

        @pl.when(i == last)
        def _():
            io2 = io_ref[FB - 1]
            k = lax.broadcasted_iota(jnp.int32, (NTAIL, B), 0)
            oh = (io2 - HEAD) == k
            tv_ref[...] = jnp.sum(
                jnp.where(oh, tl_ref[...], 0.0), axis=0, keepdims=True)

        tt = t_ref[0]
        fix = jnp.logical_and(io_ref[...] >= HEAD, i == last)
        gv = jnp.where(fix, tv_ref[...][None], g_ref[...])
        s = (1.0 + jnp.exp(-gv)) / (1.0 + jnp.exp(-tt * gv))
        o_ref[...] = x_ref[...] * s

    return pl.pallas_call(
        body,
        grid=(F // FB,),
        in_specs=[
            pl.BlockSpec(memory_space=pltpu.SMEM),
            pl.BlockSpec((FB, E, B), lambda i: (i, 0, 0)),
            pl.BlockSpec((FB, 1, B), lambda i: (i, 0, 0)),
            pl.BlockSpec((FB, 1, B), lambda i: (0, 0, 0)),
            pl.BlockSpec((NTAIL, 1), lambda i: (0, 0)),
        ],
        out_specs=pl.BlockSpec((FB, E, B), lambda i: (i, 0, 0)),
        out_shape=jax.ShapeDtypeStruct((F, E, B), jnp.float32),
        scratch_shapes=[pltpu.VMEM((1, B), jnp.float32)],
    )(jnp.reshape(t, (1,)).astype(jnp.float32), xt, g, io_t, tl)


def kernel(x, gate, raw_gate, batch_data, current_epoch):
    del raw_gate
    t = 200.0 * (current_epoch / TOTAL_EPOCHS)
    offs = (jnp.arange(F, dtype=jnp.int32) * V)[:, None]
    idx_h = (jnp.minimum(batch_data + offs, HEAD - 1)
             .reshape(F, NW, CH).transpose(1, 0, 2))
    io_t = (batch_data[F - FB:] + offs[F - FB:]).reshape(FB, 1, B)
    head = jax.lax.slice(gate, (0, 0), (HEAD, 1)).reshape(-1)
    tail = jax.lax.slice(gate, (HEAD, 0), (F * V, 1))
    gflat = _sc_gather(head, idx_h)
    xt = jnp.transpose(x, (1, 2, 0))
    out_t = _tc_scale_mul(xt, gflat.reshape(F, 1, B), io_t, tail, t)
    return jnp.transpose(out_t, (2, 0, 1))

# --- scband reference (transcript-rebuilt; emitter-appended) ---
"""Pipeline reference for scband-opt-fs-37787122270465 (READ-ONLY COPY).

The authoritative reference and input builder live on the scoring server;
editing this copy changes nothing except your own understanding.
"""

import jax, jax.numpy as jnp
import numpy as np

F = 26        # n_sparse_fields (all 'token' type)
V = 100000    # vocab per field -> gate table has F*V = 2.6M rows
B = 4096      # batch
E = 64        # embed_dim
EPOCHS = 50


def setup_inputs(seed: int = 0) -> dict:
    key = jax.random.key(seed)
    k1, k2, k3 = jax.random.split(key, 3)
    x = jax.random.normal(k1, (B, F, E), dtype=jnp.float32)
    batch_data = jax.random.randint(k2, (F, B), 0, V, dtype=jnp.int32)
    # xavier_uniform for a (V, 1) tensor: bound = sqrt(6 / (fan_in + fan_out)) = sqrt(6 / (V + 1))
    bound = float(np.sqrt(6.0 / (V + 1)))
    gate = jax.random.uniform(k3, (F * V, 1), minval=-bound, maxval=bound, dtype=jnp.float32)
    # raw_gate is a detached clone of gate at init time
    raw_gate = gate + 0.0
    return {"x": x, "gate": gate, "raw_gate": raw_gate, "batch_data": batch_data, "current_epoch": 10}


def reference(x, gate, raw_gate, batch_data, current_epoch):
    # train-mode path of optFS.forward, vectorized over the (b, f) python loops
    t = 200.0 * (current_epoch / EPOCHS)
    g_tmp = jax.nn.sigmoid(gate * t) / jax.nn.sigmoid(raw_gate)   # [F*V, 1]
    g = g_tmp.reshape(F, V)                                        # per-field slices, each len V
    # x_[i, j, :] = x[i, j, :] * g[field_j][batch_data[field_j][i]]
    gate_vals = jnp.take_along_axis(g, batch_data, axis=1)         # [F, B] gather from 2.6M-row table
    x_ = x * jnp.transpose(gate_vals)[:, :, None]                  # [B, F, E]
    return x_

if __name__ == "__main__":
    import jax
    _d = setup_inputs()
    print(jax.jit(kernel)(*tuple(_d.values())))

</pallas_src>

<mosaic_0001>
#map = affine_map<(d0, d1) -> (0)>
#map1 = affine_map<(d0, d1) -> (0, 0, 0)>
module attributes {stable_mosaic.version = 14 : i64} {
  func.func @k(%arg0: i32, %arg1: i32, %arg2: memref<2599936xf32, #tpu.memory_space<hbm>>, %arg3: memref<32x26x128xi32, #tpu.memory_space<hbm>>, %arg4: memref<106496xf32, #tpu.memory_space<hbm>>, %arg5: memref<26x128xi32, #tpu.memory_space<vmem>>, %arg6: memref<26x128xf32, #tpu.memory_space<vmem>>, %arg7: memref<!tpu.dma_semaphore, #tpu.memory_space<semaphore_mem>>, %arg8: memref<!tpu.dma_semaphore, #tpu.memory_space<semaphore_mem>>) attributes {dimension_semantics = [#tpu.dimension_semantics<core_parallel>, #tpu.dimension_semantics<subcore_parallel>], iteration_bounds = array<i64: 2, 16>, scalar_prefetch = 0 : i64, scratch_operands = 4 : i64, tpu.core_type = #tpu.core_type<sc_vector_subcore>, window_params = [{transform_indices = #map}, {transform_indices = #map1}, {transform_indices = #map}]} {
    %mul3A = arith.constant 2 : i32
    %mul3A_0 = arith.muli %arg1, %mul3A : i32
    %add3A = arith.addi %mul3A_0, %arg0 : i32
    "tpu.region"() ({
      %run_scoped3A = tpu.sem_alloc : memref<!tpu.dma_semaphore, #tpu.memory_space<semaphore_mem>>
      %dma_start3A_571 = arith.constant 0 : i32
      %dma_start3A_572 = arith.constant 0 : i32
      %dma_start3A_573 = tpu.memref_slice %arg3[%add3A, %dma_start3A_571, %dma_start3A_572] : memref<32x26x128xi32, #tpu.memory_space<hbm>> -> memref<1x26x128xi32, #tpu.memory_space<hbm>>
      %dma_start3A_574 = tpu.memref_squeeze %dma_start3A_573 : memref<1x26x128xi32, #tpu.memory_space<hbm>> -> memref<26x128xi32, #tpu.memory_space<hbm>>
      %dma_start3A_575 = arith.constant 0 : i32
      %dma_start3A_576 = arith.constant 0 : i32
      %dma_start3A_577 = tpu.memref_slice %arg3[%add3A, %dma_start3A_575, %dma_start3A_576] : memref<32x26x128xi32, #tpu.memory_space<hbm>> -> memref<1x26x128xi32, #tpu.memory_space<hbm>>
      %dma_start3A_578 = tpu.memref_squeeze %dma_start3A_577 : memref<1x26x128xi32, #tpu.memory_space<hbm>> -> memref<26x128xi32, #tpu.memory_space<hbm>>
      tpu.enqueue_dma source(%dma_start3A_578 : memref<26x128xi32, #tpu.memory_space<hbm>>) target(%arg5 : memref<26x128xi32, #tpu.memory_space<vmem>>) target_semaphore(%run_scoped3A : memref<!tpu.dma_semaphore, #tpu.memory_space<semaphore_mem>>)
      %dma_wait3A_579 = arith.constant 0 : i32
      %dma_wait3A_580 = arith.constant 0 : i32
      %dma_wait3A_581 = tpu.memref_slice %arg3[%add3A, %dma_wait3A_579, %dma_wait3A_580] : memref<32x26x128xi32, #tpu.memory_space<hbm>> -> memref<1x26x128xi32, #tpu.memory_space<hbm>>
      %dma_wait3A_582 = tpu.memref_squeeze %dma_wait3A_581 : memref<1x26x128xi32, #tpu.memory_space<hbm>> -> memref<26x128xi32, #tpu.memory_space<hbm>>
      %dma_wait3A_583 = arith.constant 0 : i32
      %dma_wait3A_584 = arith.constant 0 : i32
      %dma_wait3A_585 = tpu.memref_slice %arg3[%add3A, %dma_wait3A_583, %dma_wait3A_584] : memref<32x26x128xi32, #tpu.memory_space<hbm>> -> memref<1x26x128xi32, #tpu.memory_space<hbm>>
      %dma_wait3A_586 = tpu.memref_squeeze %dma_wait3A_585 : memref<1x26x128xi32, #tpu.memory_space<hbm>> -> memref<26x128xi32, #tpu.memory_space<hbm>>
      tpu.wait_dma2 semaphore(%run_scoped3A : memref<!tpu.dma_semaphore, #tpu.memory_space<semaphore_mem>>) src(%dma_wait3A_586 : memref<26x128xi32, #tpu.memory_space<hbm>>) dst(%arg5 : memref<26x128xi32, #tpu.memory_space<vmem>>)
      tpu.yield
    }) : () -> ()
    %add3A_1 = arith.constant 0 : i32
    %add3A_2 = arith.addi %add3A, %add3A_1 : i32
    %mul3A_3 = arith.constant 128 : i32
    %mul3A_4 = arith.muli %add3A_2, %mul3A_3 : i32
    %dma_start3A = arith.constant 0 : i32
    %dma_start3A_5 = arith.constant 0 : i32
    %dma_start3A_6 = tpu.memref_slice %arg6[%dma_start3A, %dma_start3A_5] : memref<26x128xf32, #tpu.memory_space<vmem>> -> memref<1x128xf32, #tpu.memory_space<vmem>>
    %dma_start3A_7 = tpu.memref_squeeze %dma_start3A_6 : memref<1x128xf32, #tpu.memory_space<vmem>> -> memref<128xf32, #tpu.memory_space<vmem>>
    %dma_start3A_8 = tpu.memref_slice %arg4[%mul3A_4] : memref<106496xf32, #tpu.memory_space<hbm>> -> memref<128xf32, #tpu.memory_space<hbm>>
    %dma_start3A_9 = tpu.memref_slice %arg4[%mul3A_4] : memref<106496xf32, #tpu.memory_space<hbm>> -> memref<128xf32, #tpu.memory_space<hbm>>
    %dma_start3A_10 = arith.constant 0 : i32
    %dma_start3A_11 = tpu.memref_slice %arg6[%dma_start3A, %dma_start3A_10] : memref<26x128xf32, #tpu.memory_space<vmem>> -> memref<1x128xf32, #tpu.memory_space<vmem>>
    %dma_start3A_12 = tpu.memref_squeeze %dma_start3A_11 : memref<1x128xf32, #tpu.memory_space<vmem>> -> memref<128xf32, #tpu.memory_space<vmem>>
    tpu.enqueue_dma source(%dma_start3A_12 : memref<128xf32, #tpu.memory_space<vmem>>) target(%dma_start3A_9 : memref<128xf32, #tpu.memory_space<hbm>>) target_semaphore(%arg8 : memref<!tpu.dma_semaphore, #tpu.memory_space<semaphore_mem>>)
    %add3A_13 = arith.constant 32 : i32
    %add3A_14 = arith.addi %add3A, %add3A_13 : i32
    %mul3A_15 = arith.constant 128 : i32
    %mul3A_16 = arith.muli %add3A_14, %mul3A_15 : i32
    %dma_start3A_17 = arith.constant 1 : i32
    %dma_start3A_18 = arith.constant 0 : i32
    %dma_start3A_19 = tpu.memref_slice %arg6[%dma_start3A_17, %dma_start3A_18] : memref<26x128xf32, #tpu.memory_space<vmem>> -> memref<1x128xf32, #tpu.memory_space<vmem>>
    %dma_start3A_20 = tpu.memref_squeeze %dma_start3A_19 : memref<1x128xf32, #tpu.memory_space<vmem>> -> memref<128xf32, #tpu.memory_space<vmem>>
    %dma_start3A_21 = tpu.memref_slice %arg4[%mul3A_16] : memref<106496xf32, #tpu.memory_space<hbm>> -> memref<128xf32, #tpu.memory_space<hbm>>
    %dma_start3A_22 = tpu.memref_slice %arg4[%mul3A_16] : memref<106496xf32, #tpu.memory_space<hbm>> -> memref<128xf32, #tpu.memory_space<hbm>>
    %dma_start3A_23 = arith.constant 0 : i32
    %dma_start3A_24 = tpu.memref_slice %arg6[%dma_start3A_17, %dma_start3A_23] : memref<26x128xf32, #tpu.memory_space<vmem>> -> memref<1x128xf32, #tpu.memory_space<vmem>>
    %dma_start3A_25 = tpu.memref_squeeze %dma_start3A_24 : memref<1x128xf32, #tpu.memory_space<vmem>> -> memref<128xf32, #tpu.memory_space<vmem>>
    tpu.enqueue_dma source(%dma_start3A_25 : memref<128xf32, #tpu.memory_space<vmem>>) target(%dma_start3A_22 : memref<128xf32, #tpu.memory_space<hbm>>) target_semaphore(%arg8 : memref<!tpu.dma_semaphore, #tpu.memory_space<semaphore_mem>>)
    %add3A_26 = arith.constant 64 : i32
    %add3A_27 = arith.addi %add3A, %add3A_26 : i32
    %mul3A_28 = arith.constant 128 : i32
    %mul3A_29 = arith.muli %add3A_27, %mul3A_28 : i32
    %dma_start3A_30 = arith.constant 2 : i32
    %dma_start3A_31 = arith.constant 0 : i32
    %dma_start3A_32 = tpu.memref_slice %arg6[%dma_start3A_30, %dma_start3A_31] : memref<26x128xf32, #tpu.memory_space<vmem>> -> memref<1x128xf32, #tpu.memory_space<vmem>>
    %dma_start3A_33 = tpu.memref_squeeze %dma_start3A_32 : memref<1x128xf32, #tpu.memory_space<vmem>> -> memref<128xf32, #tpu.memory_space<vmem>>
    %dma_start3A_34 = tpu.memref_slice %arg4[%mul3A_29] : memref<106496xf32, #tpu.memory_space<hbm>> -> memref<128xf32, #tpu.memory_space<hbm>>
    %dma_start3A_35 = tpu.memref_slice %arg4[%mul3A_29] : memref<106496xf32, #tpu.memory_space<hbm>> -> memref<128xf32, #tpu.memory_space<hbm>>
    %dma_start3A_36 = arith.constant 0 : i32
    %dma_start3A_37 = tpu.memref_slice %arg6[%dma_start3A_30, %dma_start3A_36] : memref<26x128xf32, #tpu.memory_space<vmem>> -> memref<1x128xf32, #tpu.memory_space<vmem>>
    %dma_start3A_38 = tpu.memref_squeeze %dma_start3A_37 : memref<1x128xf32, #tpu.memory_space<vmem>> -> memref<128xf32, #tpu.memory_space<vmem>>
    tpu.enqueue_dma source(%dma_start3A_38 : memref<128xf32, #tpu.memory_space<vmem>>) target(%dma_start3A_35 : memref<128xf32, #tpu.memory_space<hbm>>) target_semaphore(%arg8 : memref<!tpu.dma_semaphore, #tpu.memory_space<semaphore_mem>>)
    %add3A_39 = arith.constant 96 : i32
    %add3A_40 = arith.addi %add3A, %add3A_39 : i32
    %mul3A_41 = arith.constant 128 : i32
    %mul3A_42 = arith.muli %add3A_40, %mul3A_41 : i32
    %dma_start3A_43 = arith.constant 3 : i32
    %dma_start3A_44 = arith.constant 0 : i32
    %dma_start3A_45 = tpu.memref_slice %arg6[%dma_start3A_43, %dma_start3A_44] : memref<26x128xf32, #tpu.memory_space<vmem>> -> memref<1x128xf32, #tpu.memory_space<vmem>>
    %dma_start3A_46 = tpu.memref_squeeze %dma_start3A_45 : memref<1x128xf32, #tpu.memory_space<vmem>> -> memref<128xf32, #tpu.memory_space<vmem>>
    %dma_start3A_47 = tpu.memref_slice %arg4[%mul3A_42] : memref<106496xf32, #tpu.memory_space<hbm>> -> memref<128xf32, #tpu.memory_space<hbm>>
    %dma_start3A_48 = tpu.memref_slice %arg4[%mul3A_42] : memref<106496xf32, #tpu.memory_space<hbm>> -> memref<128xf32, #tpu.memory_space<hbm>>
    %dma_start3A_49 = arith.constant 0 : i32
    %dma_start3A_50 = tpu.memref_slice %arg6[%dma_start3A_43, %dma_start3A_49] : memref<26x128xf32, #tpu.memory_space<vmem>> -> memref<1x128xf32, #tpu.memory_space<vmem>>
    %dma_start3A_51 = tpu.memref_squeeze %dma_start3A_50 : memref<1x128xf32, #tpu.memory_space<vmem>> -> memref<128xf32, #tpu.memory_space<vmem>>
    tpu.enqueue_dma source(%dma_start3A_51 : memref<128xf32, #tpu.memory_space<vmem>>) target(%dma_start3A_48 : memref<128xf32, #tpu.memory_space<hbm>>) target_semaphore(%arg8 : memref<!tpu.dma_semaphore, #tpu.memory_space<semaphore_mem>>)
    %add3A_52 = arith.constant 128 : i32
    %add3A_53 = arith.addi %add3A, %add3A_52 : i32
    %mul3A_54 = arith.constant 128 : i32
    %mul3A_55 = arith.muli %add3A_53, %mul3A_54 : i32
    %dma_start3A_56 = arith.constant 4 : i32
    %dma_start3A_57 = arith.constant 0 : i32
    %dma_start3A_58 = tpu.memref_slice %arg6[%dma_start3A_56, %dma_start3A_57] : memref<26x128xf32, #tpu.memory_space<vmem>> -> memref<1x128xf32, #tpu.memory_space<vmem>>
    %dma_start3A_59 = tpu.memref_squeeze %dma_start3A_58 : memref<1x128xf32, #tpu.memory_space<vmem>> -> memref<128xf32, #tpu.memory_space<vmem>>
    %dma_start3A_60 = tpu.memref_slice %arg4[%mul3A_55] : memref<106496xf32, #tpu.memory_space<hbm>> -> memref<128xf32, #tpu.memory_space<hbm>>
    %dma_start3A_61 = tpu.memref_slice %arg4[%mul3A_55] : memref<106496xf32, #tpu.memory_space<hbm>> -> memref<128xf32, #tpu.memory_space<hbm>>
    %dma_start3A_62 = arith.constant 0 : i32
    %dma_start3A_63 = tpu.memref_slice %arg6[%dma_start3A_56, %dma_start3A_62] : memref<26x128xf32, #tpu.memory_space<vmem>> -> memref<1x128xf32, #tpu.memory_space<vmem>>
    %dma_start3A_64 = tpu.memref_squeeze %dma_start3A_63 : memref<1x128xf32, #tpu.memory_space<vmem>> -> memref<128xf32, #tpu.memory_space<vmem>>
    tpu.enqueue_dma source(%dma_start3A_64 : memref<128xf32, #tpu.memory_space<vmem>>) target(%dma_start3A_61 : memref<128xf32, #tpu.memory_space<hbm>>) target_semaphore(%arg8 : memref<!tpu.dma_semaphore, #tpu.memory_space<semaphore_mem>>)
    %add3A_65 = arith.constant 160 : i32
    %add3A_66 = arith.addi %add3A, %add3A_65 : i32
    %mul3A_67 = arith.constant 128 : i32
    %mul3A_68 = arith.muli %add3A_66, %mul3A_67 : i32
    %dma_start3A_69 = arith.constant 5 : i32
    %dma_start3A_70 = arith.constant 0 : i32
    %dma_start3A_71 = tpu.memref_slice %arg6[%dma_start3A_69, %dma_start3A_70] : memref<26x128xf32, #tpu.memory_space<vmem>> -> memref<1x128xf32, #tpu.memory_space<vmem>>
    %dma_start3A_72 = tpu.memref_squeeze %dma_start3A_71 : memref<1x128xf32, #tpu.memory_space<vmem>> -> memref<128xf32, #tpu.memory_space<vmem>>
    %dma_start3A_73 = tpu.memref_slice %arg4[%mul3A_68] : memref<106496xf32, #tpu.memory_space<hbm>> -> memref<128xf32, #tpu.memory_space<hbm>>
    %dma_start3A_74 = tpu.memref_slice %arg4[%mul3A_68] : memref<106496xf32, #tpu.memory_space<hbm>> -> memref<128xf32, #tpu.memory_space<hbm>>
    %dma_start3A_75 = arith.constant 0 : i32
    %dma_start3A_76 = tpu.memref_slice %arg6[%dma_start3A_69, %dma_start3A_75] : memref<26x128xf32, #tpu.memory_space<vmem>> -> memref<1x128xf32, #tpu.memory_space<vmem>>
    %dma_start3A_77 = tpu.memref_squeeze %dma_start3A_76 : memref<1x128xf32, #tpu.memory_space<vmem>> -> memref<128xf32, #tpu.memory_space<vmem>>
    tpu.enqueue_dma source(%dma_start3A_77 : memref<128xf32, #tpu.memory_space<vmem>>) target(%dma_start3A_74 : memref<128xf32, #tpu.memory_space<hbm>>) target_semaphore(%arg8 : memref<!tpu.dma_semaphore, #tpu.memory_space<semaphore_mem>>)
    %add3A_78 = arith.constant 192 : i32
    %add3A_79 = arith.addi %add3A, %add3A_78 : i32
    %mul3A_80 = arith.constant 128 : i32
    %mul3A_81 = arith.muli %add3A_79, %mul3A_80 : i32
    %dma_start3A_82 = arith.constant 6 : i32
    %dma_start3A_83 = arith.constant 0 : i32
    %dma_start3A_84 = tpu.memref_slice %arg6[%dma_start3A_82, %dma_start3A_83] : memref<26x128xf32, #tpu.memory_space<vmem>> -> memref<1x128xf32, #tpu.memory_space<vmem>>
    %dma_start3A_85 = tpu.memref_squeeze %dma_start3A_84 : memref<1x128xf32, #tpu.memory_space<vmem>> -> memref<128xf32, #tpu.memory_space<vmem>>
    %dma_start3A_86 = tpu.memref_slice %arg4[%mul3A_81] : memref<106496xf32, #tpu.memory_space<hbm>> -> memref<128xf32, #tpu.memory_space<hbm>>
    %dma_start3A_87 = tpu.memref_slice %arg4[%mul3A_81] : memref<106496xf32, #tpu.memory_space<hbm>> -> memref<128xf32, #tpu.memory_space<hbm>>
    %dma_start3A_88 = arith.constant 0 : i32
    %dma_start3A_89 = tpu.memref_slice %arg6[%dma_start3A_82, %dma_start3A_88] : memref<26x128xf32, #tpu.memory_space<vmem>> -> memref<1x128xf32, #tpu.memory_space<vmem>>
    %dma_start3A_90 = tpu.memref_squeeze %dma_start3A_89 : memref<1x128xf32, #tpu.memory_space<vmem>> -> memref<128xf32, #tpu.memory_space<vmem>>
    tpu.enqueue_dma source(%dma_start3A_90 : memref<128xf32, #tpu.memory_space<vmem>>) target(%dma_start3A_87 : memref<128xf32, #tpu.memory_space<hbm>>) target_semaphore(%arg8 : memref<!tpu.dma_semaphore, #tpu.memory_space<semaphore_mem>>)
    %add3A_91 = arith.constant 224 : i32
    %add3A_92 = arith.addi %add3A, %add3A_91 : i32
    %mul3A_93 = arith.constant 128 : i32
    %mul3A_94 = arith.muli %add3A_92, %mul3A_93 : i32
    %dma_start3A_95 = arith.constant 7 : i32
    %dma_start3A_96 = arith.constant 0 : i32
    %dma_start3A_97 = tpu.memref_slice %arg6[%dma_start3A_95, %dma_start3A_96] : memref<26x128xf32, #tpu.memory_space<vmem>> -> memref<1x128xf32, #tpu.memory_space<vmem>>
    %dma_start3A_98 = tpu.memref_squeeze %dma_start3A_97 : memref<1x128xf32, #tpu.memory_space<vmem>> -> memref<128xf32, #tpu.memory_space<vmem>>
    %dma_start3A_99 = tpu.memref_slice %arg4[%mul3A_94] : memref<106496xf32, #tpu.memory_space<hbm>> -> memref<128xf32, #tpu.memory_space<hbm>>
    %dma_start3A_100 = tpu.memref_slice %arg4[%mul3A_94] : memref<106496xf32, #tpu.memory_space<hbm>> -> memref<128xf32, #tpu.memory_space<hbm>>
    %dma_start3A_101 = arith.constant 0 : i32
    %dma_start3A_102 = tpu.memref_slice %arg6[%dma_start3A_95, %dma_start3A_101] : memref<26x128xf32, #tpu.memory_space<vmem>> -> memref<1x128xf32, #tpu.memory_space<vmem>>
    %dma_start3A_103 = tpu.memref_squeeze %dma_start3A_102 : memref<1x128xf32, #tpu.memory_space<vmem>> -> memref<128xf32, #tpu.memory_space<vmem>>
    tpu.enqueue_dma source(%dma_start3A_103 : memref<128xf32, #tpu.memory_space<vmem>>) target(%dma_start3A_100 : memref<128xf32, #tpu.memory_space<hbm>>) target_semaphore(%arg8 : memref<!tpu.dma_semaphore, #tpu.memory_space<semaphore_mem>>)
    %add3A_104 = arith.constant 256 : i32
    %add3A_105 = arith.addi %add3A, %add3A_104 : i32
    %mul3A_106 = arith.constant 128 : i32
    %mul3A_107 = arith.muli %add3A_105, %mul3A_106 : i32
    %dma_start3A_108 = arith.constant 8 : i32
    %dma_start3A_109 = arith.constant 0 : i32
    %dma_start3A_110 = tpu.memref_slice %arg6[%dma_start3A_108, %dma_start3A_109] : memref<26x128xf32, #tpu.memory_space<vmem>> -> memref<1x128xf32, #tpu.memory_space<vmem>>
    %dma_start3A_111 = tpu.memref_squeeze %dma_start3A_110 : memref<1x128xf32, #tpu.memory_space<vmem>> -> memref<128xf32, #tpu.memory_space<vmem>>
    %dma_start3A_112 = tpu.memref_slice %arg4[%mul3A_107] : memref<106496xf32, #tpu.memory_space<hbm>> -> memref<128xf32, #tpu.memory_space<hbm>>
    %dma_start3A_113 = tpu.memref_slice %arg4[%mul3A_107] : memref<106496xf32, #tpu.memory_space<hbm>> -> memref<128xf32, #tpu.memory_space<hbm>>
    %dma_start3A_114 = arith.constant 0 : i32
    %dma_start3A_115 = tpu.memref_slice %arg6[%dma_start3A_108, %dma_start3A_114] : memref<26x128xf32, #tpu.memory_space<vmem>> -> memref<1x128xf32, #tpu.memory_space<vmem>>
    %dma_start3A_116 = tpu.memref_squeeze %dma_start3A_115 : memref<1x128xf32, #tpu.memory_space<vmem>> -> memref<128xf32, #tpu.memory_space<vmem>>
    tpu.enqueue_dma source(%dma_start3A_116 : memref<128xf32, #tpu.memory_space<vmem>>) target(%dma_start3A_113 : memref<128xf32, #tpu.memory_space<hbm>>) target_semaphore(%arg8 : memref<!tpu.dma_semaphore, #tpu.memory_space<semaphore_mem>>)
    %add3A_117 = arith.constant 288 : i32
    %add3A_118 = arith.addi %add3A, %add3A_117 : i32
    %mul3A_119 = arith.constant 128 : i32
    %mul3A_120 = arith.muli %add3A_118, %mul3A_119 : i32
    %dma_start3A_121 = arith.constant 9 : i32
    %dma_start3A_122 = arith.constant 0 : i32
    %dma_start3A_123 = tpu.memref_slice %arg6[%dma_start3A_121, %dma_start3A_122] : memref<26x128xf32, #tpu.memory_space<vmem>> -> memref<1x128xf32, #tpu.memory_space<vmem>>
    %dma_start3A_124 = tpu.memref_squeeze %dma_start3A_123 : memref<1x128xf32, #tpu.memory_space<vmem>> -> memref<128xf32, #tpu.memory_space<vmem>>
    %dma_start3A_125 = tpu.memref_slice %arg4[%mul3A_120] : memref<106496xf32, #tpu.memory_space<hbm>> -> memref<128xf32, #tpu.memory_space<hbm>>
    %dma_start3A_126 = tpu.memref_slice %arg4[%mul3A_120] : memref<106496xf32, #tpu.memory_space<hbm>> -> memref<128xf32, #tpu.memory_space<hbm>>
    %dma_start3A_127 = arith.constant 0 : i32
    %dma_start3A_128 = tpu.memref_slice %arg6[%dma_start3A_121, %dma_start3A_127] : memref<26x128xf32, #tpu.memory_space<vmem>> -> memref<1x128xf32, #tpu.memory_space<vmem>>
    %dma_start3A_129 = tpu.memref_squeeze %dma_start3A_128 : memref<1x128xf32, #tpu.memory_space<vmem>> -> memref<128xf32, #tpu.memory_space<vmem>>
    tpu.enqueue_dma source(%dma_start3A_129 : memref<128xf32, #tpu.memory_space<vmem>>) target(%dma_start3A_126 : memref<128xf32, #tpu.memory_space<hbm>>) target_semaphore(%arg8 : memref<!tpu.dma_semaphore, #tpu.memory_space<semaphore_mem>>)
    %add3A_130 = arith.constant 320 : i32
    %add3A_131 = arith.addi %add3A, %add3A_130 : i32
    %mul3A_132 = arith.constant 128 : i32
    %mul3A_133 = arith.muli %add3A_131, %mul3A_132 : i32
    %dma_start3A_134 = arith.constant 10 : i32
    %dma_start3A_135 = arith.constant 0 : i32
    %dma_start3A_136 = tpu.memref_slice %arg6[%dma_start3A_134, %dma_start3A_135] : memref<26x128xf32, #tpu.memory_space<vmem>> -> memref<1x128xf32, #tpu.memory_space<vmem>>
    %dma_start3A_137 = tpu.memref_squeeze %dma_start3A_136 : memref<1x128xf32, #tpu.memory_space<vmem>> -> memref<128xf32, #tpu.memory_space<vmem>>
    %dma_start3A_138 = tpu.memref_slice %arg4[%mul3A_133] : memref<106496xf32, #tpu.memory_space<hbm>> -> memref<128xf32, #tpu.memory_space<hbm>>
    %dma_start3A_139 = tpu.memref_slice %arg4[%mul3A_133] : memref<106496xf32, #tpu.memory_space<hbm>> -> memref<128xf32, #tpu.memory_space<hbm>>
    %dma_start3A_140 = arith.constant 0 : i32
    %dma_start3A_141 = tpu.memref_slice %arg6[%dma_start3A_134, %dma_start3A_140] : memref<26x128xf32, #tpu.memory_space<vmem>> -> memref<1x128xf32, #tpu.memory_space<vmem>>
    %dma_start3A_142 = tpu.memref_squeeze %dma_start3A_141 : memref<1x128xf32, #tpu.memory_space<vmem>> -> memref<128xf32, #tpu.memory_space<vmem>>
    tpu.enqueue_dma source(%dma_start3A_142 : memref<128xf32, #tpu.memory_space<vmem>>) target(%dma_start3A_139 : memref<128xf32, #tpu.memory_space<hbm>>) target_semaphore(%arg8 : memref<!tpu.dma_semaphore, #tpu.memory_space<semaphore_mem>>)
    %add3A_143 = arith.constant 352 : i32
    %add3A_144 = arith.addi %add3A, %add3A_143 : i32
    %mul3A_145 = arith.constant 128 : i32
    %mul3A_146 = arith.muli %add3A_144, %mul3A_145 : i32
    %dma_start3A_147 = arith.constant 11 : i32
    %dma_start3A_148 = arith.constant 0 : i32
    %dma_start3A_149 = tpu.memref_slice %arg6[%dma_start3A_147, %dma_start3A_148] : memref<26x128xf32, #tpu.memory_space<vmem>> -> memref<1x128xf32, #tpu.memory_space<vmem>>
    %dma_start3A_150 = tpu.memref_squeeze %dma_start3A_149 : memref<1x128xf32, #tpu.memory_space<vmem>> -> memref<128xf32, #tpu.memory_space<vmem>>
    %dma_start3A_151 = tpu.memref_slice %arg4[%mul3A_146] : memref<106496xf32, #tpu.memory_space<hbm>> -> memref<128xf32, #tpu.memory_space<hbm>>
    %dma_start3A_152 = tpu.memref_slice %arg4[%mul3A_146] : memref<106496xf32, #tpu.memory_space<hbm>> -> memref<128xf32, #tpu.memory_space<hbm>>
    %dma_start3A_153 = arith.constant 0 : i32
    %dma_start3A_154 = tpu.memref_slice %arg6[%dma_start3A_147, %dma_start3A_153] : memref<26x128xf32, #tpu.memory_space<vmem>> -> memref<1x128xf32, #tpu.memory_space<vmem>>
    %dma_start3A_155 = tpu.memref_squeeze %dma_start3A_154 : memref<1x128xf32, #tpu.memory_space<vmem>> -> memref<128xf32, #tpu.memory_space<vmem>>
    tpu.enqueue_dma source(%dma_start3A_155 : memref<128xf32, #tpu.memory_space<vmem>>) target(%dma_start3A_152 : memref<128xf32, #tpu.memory_space<hbm>>) target_semaphore(%arg8 : memref<!tpu.dma_semaphore, #tpu.memory_space<semaphore_mem>>)
    %add3A_156 = arith.constant 384 : i32
    %add3A_157 = arith.addi %add3A, %add3A_156 : i32
    %mul3A_158 = arith.constant 128 : i32
    %mul3A_159 = arith.muli %add3A_157, %mul3A_158 : i32
    %dma_start3A_160 = arith.constant 12 : i32
    %dma_start3A_161 = arith.constant 0 : i32
    %dma_start3A_162 = tpu.memref_slice %arg6[%dma_start3A_160, %dma_start3A_161] : memref<26x128xf32, #tpu.memory_space<vmem>> -> memref<1x128xf32, #tpu.memory_space<vmem>>
    %dma_start3A_163 = tpu.memref_squeeze %dma_start3A_162 : memref<1x128xf32, #tpu.memory_space<vmem>> -> memref<128xf32, #tpu.memory_space<vmem>>
    %dma_start3A_164 = tpu.memref_slice %arg4[%mul3A_159] : memref<106496xf32, #tpu.memory_space<hbm>> -> memref<128xf32, #tpu.memory_space<hbm>>
    %dma_start3A_165 = tpu.memref_slice %arg4[%mul3A_159] : memref<106496xf32, #tpu.memory_space<hbm>> -> memref<128xf32, #tpu.memory_space<hbm>>
    %dma_start3A_166 = arith.constant 0 : i32
    %dma_start3A_167 = tpu.memref_slice %arg6[%dma_start3A_160, %dma_start3A_166] : memref<26x128xf32, #tpu.memory_space<vmem>> -> memref<1x128xf32, #tpu.memory_space<vmem>>
    %dma_start3A_168 = tpu.memref_squeeze %dma_start3A_167 : memref<1x128xf32, #tpu.memory_space<vmem>> -> memref<128xf32, #tpu.memory_space<vmem>>
    tpu.enqueue_dma source(%dma_start3A_168 : memref<128xf32, #tpu.memory_space<vmem>>) target(%dma_start3A_165 : memref<128xf32, #tpu.memory_space<hbm>>) target_semaphore(%arg8 : memref<!tpu.dma_semaphore, #tpu.memory_space<semaphore_mem>>)
    %add3A_169 = arith.constant 416 : i32
    %add3A_170 = arith.addi %add3A, %add3A_169 : i32
    %mul3A_171 = arith.constant 128 : i32
    %mul3A_172 = arith.muli %add3A_170, %mul3A_171 : i32
    %dma_start3A_173 = arith.constant 13 : i32
    %dma_start3A_174 = arith.constant 0 : i32
    %dma_start3A_175 = tpu.memref_slice %arg6[%dma_start3A_173, %dma_start3A_174] : memref<26x128xf32, #tpu.memory_space<vmem>> -> memref<1x128xf32, #tpu.memory_space<vmem>>
    %dma_start3A_176 = tpu.memref_squeeze %dma_start3A_175 : memref<1x128xf32, #tpu.memory_space<vmem>> -> memref<128xf32, #tpu.memory_space<vmem>>
    %dma_start3A_177 = tpu.memref_slice %arg4[%mul3A_172] : memref<106496xf32, #tpu.memory_space<hbm>> -> memref<128xf32, #tpu.memory_space<hbm>>
    %dma_start3A_178 = tpu.memref_slice %arg4[%mul3A_172] : memref<106496xf32, #tpu.memory_space<hbm>> -> memref<128xf32, #tpu.memory_space<hbm>>
    %dma_start3A_179 = arith.constant 0 : i32
    %dma_start3A_180 = tpu.memref_slice %arg6[%dma_start3A_173, %dma_start3A_179] : memref<26x128xf32, #tpu.memory_space<vmem>> -> memref<1x128xf32, #tpu.memory_space<vmem>>
    %dma_start3A_181 = tpu.memref_squeeze %dma_start3A_180 : memref<1x128xf32, #tpu.memory_space<vmem>> -> memref<128xf32, #tpu.memory_space<vmem>>
    tpu.enqueue_dma source(%dma_start3A_181 : memref<128xf32, #tpu.memory_space<vmem>>) target(%dma_start3A_178 : memref<128xf32, #tpu.memory_space<hbm>>) target_semaphore(%arg8 : memref<!tpu.dma_semaphore, #tpu.memory_space<semaphore_mem>>)
    %add3A_182 = arith.constant 448 : i32
    %add3A_183 = arith.addi %add3A, %add3A_182 : i32
    %mul3A_184 = arith.constant 128 : i32
    %mul3A_185 = arith.muli %add3A_183, %mul3A_184 : i32
    %dma_start3A_186 = arith.constant 14 : i32
    %dma_start3A_187 = arith.constant 0 : i32
    %dma_start3A_188 = tpu.memref_slice %arg6[%dma_start3A_186, %dma_start3A_187] : memref<26x128xf32, #tpu.memory_space<vmem>> -> memref<1x128xf32, #tpu.memory_space<vmem>>
    %dma_start3A_189 = tpu.memref_squeeze %dma_start3A_188 : memref<1x128xf32, #tpu.memory_space<vmem>> -> memref<128xf32, #tpu.memory_space<vmem>>
    %dma_start3A_190 = tpu.memref_slice %arg4[%mul3A_185] : memref<106496xf32, #tpu.memory_space<hbm>> -> memref<128xf32, #tpu.memory_space<hbm>>
    %dma_start3A_191 = tpu.memref_slice %arg4[%mul3A_185] : memref<106496xf32, #tpu.memory_space<hbm>> -> memref<128xf32, #tpu.memory_space<hbm>>
    %dma_start3A_192 = arith.constant 0 : i32
    %dma_start3A_193 = tpu.memref_slice %arg6[%dma_start3A_186, %dma_start3A_192] : memref<26x128xf32, #tpu.memory_space<vmem>> -> memref<1x128xf32, #tpu.memory_space<vmem>>
    %dma_start3A_194 = tpu.memref_squeeze %dma_start3A_193 : memref<1x128xf32, #tpu.memory_space<vmem>> -> memref<128xf32, #tpu.memory_space<vmem>>
    tpu.enqueue_dma source(%dma_start3A_194 : memref<128xf32, #tpu.memory_space<vmem>>) target(%dma_start3A_191 : memref<128xf32, #tpu.memory_space<hbm>>) target_semaphore(%arg8 : memref<!tpu.dma_semaphore, #tpu.memory_space<semaphore_mem>>)
    %add3A_195 = arith.constant 480 : i32
    %add3A_196 = arith.addi %add3A, %add3A_195 : i32
    %mul3A_197 = arith.constant 128 : i32
    %mul3A_198 = arith.muli %add3A_196, %mul3A_197 : i32
    %dma_start3A_199 = arith.constant 15 : i32
    %dma_start3A_200 = arith.constant 0 : i32
    %dma_start3A_201 = tpu.memref_slice %arg6[%dma_start3A_199, %dma_start3A_200] : memref<26x128xf32, #tpu.memory_space<vmem>> -> memref<1x128xf32, #tpu.memory_space<vmem>>
    %dma_start3A_202 = tpu.memref_squeeze %dma_start3A_201 : memref<1x128xf32, #tpu.memory_space<vmem>> -> memref<128xf32, #tpu.memory_space<vmem>>
    %dma_start3A_203 = tpu.memref_slice %arg4[%mul3A_198] : memref<106496xf32, #tpu.memory_space<hbm>> -> memref<128xf32, #tpu.memory_space<hbm>>
    %dma_start3A_204 = tpu.memref_slice %arg4[%mul3A_198] : memref<106496xf32, #tpu.memory_space<hbm>> -> memref<128xf32, #tpu.memory_space<hbm>>
    %dma_start3A_205 = arith.constant 0 : i32
    %dma_start3A_206 = tpu.memref_slice %arg6[%dma_start3A_199, %dma_start3A_205] : memref<26x128xf32, #tpu.memory_space<vmem>> -> memref<1x128xf32, #tpu.memory_space<vmem>>
    %dma_start3A_207 = tpu.memref_squeeze %dma_start3A_206 : memref<1x128xf32, #tpu.memory_space<vmem>> -> memref<128xf32, #tpu.memory_space<vmem>>
    tpu.enqueue_dma source(%dma_start3A_207 : memref<128xf32, #tpu.memory_space<vmem>>) target(%dma_start3A_204 : memref<128xf32, #tpu.memory_space<hbm>>) target_semaphore(%arg8 : memref<!tpu.dma_semaphore, #tpu.memory_space<semaphore_mem>>)
    %add3A_208 = arith.constant 512 : i32
    %add3A_209 = arith.addi %add3A, %add3A_208 : i32
    %mul3A_210 = arith.constant 128 : i32
    %mul3A_211 = arith.muli %add3A_209, %mul3A_210 : i32
    %dma_start3A_212 = arith.constant 16 : i32
    %dma_start3A_213 = arith.constant 0 : i32
    %dma_start3A_214 = tpu.memref_slice %arg6[%dma_start3A_212, %dma_start3A_213] : memref<26x128xf32, #tpu.memory_space<vmem>> -> memref<1x128xf32, #tpu.memory_space<vmem>>
    %dma_start3A_215 = tpu.memref_squeeze %dma_start3A_214 : memref<1x128xf32, #tpu.memory_space<vmem>> -> memref<128xf32, #tpu.memory_space<vmem>>
    %dma_start3A_216 = tpu.memref_slice %arg4[%mul3A_211] : memref<106496xf32, #tpu.memory_space<hbm>> -> memref<128xf32, #tpu.memory_space<hbm>>
    %dma_start3A_217 = tpu.memref_slice %arg4[%mul3A_211] : memref<106496xf32, #tpu.memory_space<hbm>> -> memref<128xf32, #tpu.memory_space<hbm>>
    %dma_start3A_218 = arith.constant 0 : i32
    %dma_start3A_219 = tpu.memref_slice %arg6[%dma_start3A_212, %dma_start3A_218] : memref<26x128xf32, #tpu.memory_space<vmem>> -> memref<1x128xf32, #tpu.memory_space<vmem>>
    %dma_start3A_220 = tpu.memref_squeeze %dma_start3A_219 : memref<1x128xf32, #tpu.memory_space<vmem>> -> memref<128xf32, #tpu.memory_space<vmem>>
    tpu.enqueue_dma source(%dma_start3A_220 : memref<128xf32, #tpu.memory_space<vmem>>) target(%dma_start3A_217 : memref<128xf32, #tpu.memory_space<hbm>>) target_semaphore(%arg8 : memref<!tpu.dma_semaphore, #tpu.memory_space<semaphore_mem>>)
    %add3A_221 = arith.constant 544 : i32
    %add3A_222 = arith.addi %add3A, %add3A_221 : i32
    %mul3A_223 = arith.constant 128 : i32
    %mul3A_224 = arith.muli %add3A_222, %mul3A_223 : i32
    %dma_start3A_225 = arith.constant 17 : i32
    %dma_start3A_226 = arith.constant 0 : i32
    %dma_start3A_227 = tpu.memref_slice %arg6[%dma_start3A_225, %dma_start3A_226] : memref<26x128xf32, #tpu.memory_space<vmem>> -> memref<1x128xf32, #tpu.memory_space<vmem>>
    %dma_start3A_228 = tpu.memref_squeeze %dma_start3A_227 : memref<1x128xf32, #tpu.memory_space<vmem>> -> memref<128xf32, #tpu.memory_space<vmem>>
    %dma_start3A_229 = tpu.memref_slice %arg4[%mul3A_224] : memref<106496xf32, #tpu.memory_space<hbm>> -> memref<128xf32, #tpu.memory_space<hbm>>
    %dma_start3A_230 = tpu.memref_slice %arg4[%mul3A_224] : memref<106496xf32, #tpu.memory_space<hbm>> -> memref<128xf32, #tpu.memory_space<hbm>>
    %dma_start3A_231 = arith.constant 0 : i32
    %dma_start3A_232 = tpu.memref_slice %arg6[%dma_start3A_225, %dma_start3A_231] : memref<26x128xf32, #tpu.memory_space<vmem>> -> memref<1x128xf32, #tpu.memory_space<vmem>>
    %dma_start3A_233 = tpu.memref_squeeze %dma_start3A_232 : memref<1x128xf32, #tpu.memory_space<vmem>> -> memref<128xf32, #tpu.memory_space<vmem>>
    tpu.enqueue_dma source(%dma_start3A_233 : memref<128xf32, #tpu.memory_space<vmem>>) target(%dma_start3A_230 : memref<128xf32, #tpu.memory_space<hbm>>) target_semaphore(%arg8 : memref<!tpu.dma_semaphore, #tpu.memory_space<semaphore_mem>>)
    %add3A_234 = arith.constant 576 : i32
    %add3A_235 = arith.addi %add3A, %add3A_234 : i32
    %mul3A_236 = arith.constant 128 : i32
    %mul3A_237 = arith.muli %add3A_235, %mul3A_236 : i32
    %dma_start3A_238 = arith.constant 18 : i32
    %dma_start3A_239 = arith.constant 0 : i32
    %dma_start3A_240 = tpu.memref_slice %arg6[%dma_start3A_238, %dma_start3A_239] : memref<26x128xf32, #tpu.memory_space<vmem>> -> memref<1x128xf32, #tpu.memory_space<vmem>>
    %dma_start3A_241 = tpu.memref_squeeze %dma_start3A_240 : memref<1x128xf32, #tpu.memory_space<vmem>> -> memref<128xf32, #tpu.memory_space<vmem>>
    %dma_start3A_242 = tpu.memref_slice %arg4[%mul3A_237] : memref<106496xf32, #tpu.memory_space<hbm>> -> memref<128xf32, #tpu.memory_space<hbm>>
    %dma_start3A_243 = tpu.memref_slice %arg4[%mul3A_237] : memref<106496xf32, #tpu.memory_space<hbm>> -> memref<128xf32, #tpu.memory_space<hbm>>
    %dma_start3A_244 = arith.constant 0 : i32
    %dma_start3A_245 = tpu.memref_slice %arg6[%dma_start3A_238, %dma_start3A_244] : memref<26x128xf32, #tpu.memory_space<vmem>> -> memref<1x128xf32, #tpu.memory_space<vmem>>
    %dma_start3A_246 = tpu.memref_squeeze %dma_start3A_245 : memref<1x128xf32, #tpu.memory_space<vmem>> -> memref<128xf32, #tpu.memory_space<vmem>>
    tpu.enqueue_dma source(%dma_start3A_246 : memref<128xf32, #tpu.memory_space<vmem>>) target(%dma_start3A_243 : memref<128xf32, #tpu.memory_space<hbm>>) target_semaphore(%arg8 : memref<!tpu.dma_semaphore, #tpu.memory_space<semaphore_mem>>)
    %add3A_247 = arith.constant 608 : i32
    %add3A_248 = arith.addi %add3A, %add3A_247 : i32
    %mul3A_249 = arith.constant 128 : i32
    %mul3A_250 = arith.muli %add3A_248, %mul3A_249 : i32
    %dma_start3A_251 = arith.constant 19 : i32
    %dma_start3A_252 = arith.constant 0 : i32
    %dma_start3A_253 = tpu.memref_slice %arg6[%dma_start3A_251, %dma_start3A_252] : memref<26x128xf32, #tpu.memory_space<vmem>> -> memref<1x128xf32, #tpu.memory_space<vmem>>
    %dma_start3A_254 = tpu.memref_squeeze %dma_start3A_253 : memref<1x128xf32, #tpu.memory_space<vmem>> -> memref<128xf32, #tpu.memory_space<vmem>>
    %dma_start3A_255 = tpu.memref_slice %arg4[%mul3A_250] : memref<106496xf32, #tpu.memory_space<hbm>> -> memref<128xf32, #tpu.memory_space<hbm>>
    %dma_start3A_256 = tpu.memref_slice %arg4[%mul3A_250] : memref<106496xf32, #tpu.memory_space<hbm>> -> memref<128xf32, #tpu.memory_space<hbm>>
    %dma_start3A_257 = arith.constant 0 : i32
    %dma_start3A_258 = tpu.memref_slice %arg6[%dma_start3A_251, %dma_start3A_257] : memref<26x128xf32, #tpu.memory_space<vmem>> -> memref<1x128xf32, #tpu.memory_space<vmem>>
    %dma_start3A_259 = tpu.memref_squeeze %dma_start3A_258 : memref<1x128xf32, #tpu.memory_space<vmem>> -> memref<128xf32, #tpu.memory_space<vmem>>
    tpu.enqueue_dma source(%dma_start3A_259 : memref<128xf32, #tpu.memory_space<vmem>>) target(%dma_start3A_256 : memref<128xf32, #tpu.memory_space<hbm>>) target_semaphore(%arg8 : memref<!tpu.dma_semaphore, #tpu.memory_space<semaphore_mem>>)
    %add3A_260 = arith.constant 640 : i32
    %add3A_261 = arith.addi %add3A, %add3A_260 : i32
    %mul3A_262 = arith.constant 128 : i32
    %mul3A_263 = arith.muli %add3A_261, %mul3A_262 : i32
    %dma_start3A_264 = arith.constant 20 : i32
    %dma_start3A_265 = arith.constant 0 : i32
    %dma_start3A_266 = tpu.memref_slice %arg6[%dma_start3A_264, %dma_start3A_265] : memref<26x128xf32, #tpu.memory_space<vmem>> -> memref<1x128xf32, #tpu.memory_space<vmem>>
    %dma_start3A_267 = tpu.memref_squeeze %dma_start3A_266 : memref<1x128xf32, #tpu.memory_space<vmem>> -> memref<128xf32, #tpu.memory_space<vmem>>
    %dma_start3A_268 = tpu.memref_slice %arg4[%mul3A_263] : memref<106496xf32, #tpu.memory_space<hbm>> -> memref<128xf32, #tpu.memory_space<hbm>>
    %dma_start3A_269 = tpu.memref_slice %arg4[%mul3A_263] : memref<106496xf32, #tpu.memory_space<hbm>> -> memref<128xf32, #tpu.memory_space<hbm>>
    %dma_start3A_270 = arith.constant 0 : i32
    %dma_start3A_271 = tpu.memref_slice %arg6[%dma_start3A_264, %dma_start3A_270] : memref<26x128xf32, #tpu.memory_space<vmem>> -> memref<1x128xf32, #tpu.memory_space<vmem>>
    %dma_start3A_272 = tpu.memref_squeeze %dma_start3A_271 : memref<1x128xf32, #tpu.memory_space<vmem>> -> memref<128xf32, #tpu.memory_space<vmem>>
    tpu.enqueue_dma source(%dma_start3A_272 : memref<128xf32, #tpu.memory_space<vmem>>) target(%dma_start3A_269 : memref<128xf32, #tpu.memory_space<hbm>>) target_semaphore(%arg8 : memref<!tpu.dma_semaphore, #tpu.memory_space<semaphore_mem>>)
    %add3A_273 = arith.constant 672 : i32
    %add3A_274 = arith.addi %add3A, %add3A_273 : i32
    %mul3A_275 = arith.constant 128 : i32
    %mul3A_276 = arith.muli %add3A_274, %mul3A_275 : i32
    %dma_start3A_277 = arith.constant 21 : i32
    %dma_start3A_278 = arith.constant 0 : i32
    %dma_start3A_279 = tpu.memref_slice %arg6[%dma_start3A_277, %dma_start3A_278] : memref<26x128xf32, #tpu.memory_space<vmem>> -> memref<1x128xf32, #tpu.memory_space<vmem>>
    %dma_start3A_280 = tpu.memref_squeeze %dma_start3A_279 : memref<1x128xf32, #tpu.memory_space<vmem>> -> memref<128xf32, #tpu.memory_space<vmem>>
    %dma_start3A_281 = tpu.memref_slice %arg4[%mul3A_276] : memref<106496xf32, #tpu.memory_space<hbm>> -> memref<128xf32, #tpu.memory_space<hbm>>
    %dma_start3A_282 = tpu.memref_slice %arg4[%mul3A_276] : memref<106496xf32, #tpu.memory_space<hbm>> -> memref<128xf32, #tpu.memory_space<hbm>>
    %dma_start3A_283 = arith.constant 0 : i32
    %dma_start3A_284 = tpu.memref_slice %arg6[%dma_start3A_277, %dma_start3A_283] : memref<26x128xf32, #tpu.memory_space<vmem>> -> memref<1x128xf32, #tpu.memory_space<vmem>>
    %dma_start3A_285 = tpu.memref_squeeze %dma_start3A_284 : memref<1x128xf32, #tpu.memory_space<vmem>> -> memref<128xf32, #tpu.memory_space<vmem>>
    tpu.enqueue_dma source(%dma_start3A_285 : memref<128xf32, #tpu.memory_space<vmem>>) target(%dma_start3A_282 : memref<128xf32, #tpu.memory_space<hbm>>) target_semaphore(%arg8 : memref<!tpu.dma_semaphore, #tpu.memory_space<semaphore_mem>>)
    %add3A_286 = arith.constant 704 : i32
    %add3A_287 = arith.addi %add3A, %add3A_286 : i32
    %mul3A_288 = arith.constant 128 : i32
    %mul3A_289 = arith.muli %add3A_287, %mul3A_288 : i32
    %dma_start3A_290 = arith.constant 22 : i32
    %dma_start3A_291 = arith.constant 0 : i32
    %dma_start3A_292 = tpu.memref_slice %arg6[%dma_start3A_290, %dma_start3A_291] : memref<26x128xf32, #tpu.memory_space<vmem>> -> memref<1x128xf32, #tpu.memory_space<vmem>>
    %dma_start3A_293 = tpu.memref_squeeze %dma_start3A_292 : memref<1x128xf32, #tpu.memory_space<vmem>> -> memref<128xf32, #tpu.memory_space<vmem>>
    %dma_start3A_294 = tpu.memref_slice %arg4[%mul3A_289] : memref<106496xf32, #tpu.memory_space<hbm>> -> memref<128xf32, #tpu.memory_space<hbm>>
    %dma_start3A_295 = tpu.memref_slice %arg4[%mul3A_289] : memref<106496xf32, #tpu.memory_space<hbm>> -> memref<128xf32, #tpu.memory_space<hbm>>
    %dma_start3A_296 = arith.constant 0 : i32
    %dma_start3A_297 = tpu.memref_slice %arg6[%dma_start3A_290, %dma_start3A_296] : memref<26x128xf32, #tpu.memory_space<vmem>> -> memref<1x128xf32, #tpu.memory_space<vmem>>
    %dma_start3A_298 = tpu.memref_squeeze %dma_start3A_297 : memref<1x128xf32, #tpu.memory_space<vmem>> -> memref<128xf32, #tpu.memory_space<vmem>>
    tpu.enqueue_dma source(%dma_start3A_298 : memref<128xf32, #tpu.memory_space<vmem>>) target(%dma_start3A_295 : memref<128xf32, #tpu.memory_space<hbm>>) target_semaphore(%arg8 : memref<!tpu.dma_semaphore, #tpu.memory_space<semaphore_mem>>)
    %add3A_299 = arith.constant 736 : i32
    %add3A_300 = arith.addi %add3A, %add3A_299 : i32
    %mul3A_301 = arith.constant 128 : i32
    %mul3A_302 = arith.muli %add3A_300, %mul3A_301 : i32
    %dma_start3A_303 = arith.constant 23 : i32
    %dma_start3A_304 = arith.constant 0 : i32
    %dma_start3A_305 = tpu.memref_slice %arg6[%dma_start3A_303, %dma_start3A_304] : memref<26x128xf32, #tpu.memory_space<vmem>> -> memref<1x128xf32, #tpu.memory_space<vmem>>
    %dma_start3A_306 = tpu.memref_squeeze %dma_start3A_305 : memref<1x128xf32, #tpu.memory_space<vmem>> -> memref<128xf32, #tpu.memory_space<vmem>>
    %dma_start3A_307 = tpu.memref_slice %arg4[%mul3A_302] : memref<106496xf32, #tpu.memory_space<hbm>> -> memref<128xf32, #tpu.memory_space<hbm>>
    %dma_start3A_308 = tpu.memref_slice %arg4[%mul3A_302] : memref<106496xf32, #tpu.memory_space<hbm>> -> memref<128xf32, #tpu.memory_space<hbm>>
    %dma_start3A_309 = arith.constant 0 : i32
    %dma_start3A_310 = tpu.memref_slice %arg6[%dma_start3A_303, %dma_start3A_309] : memref<26x128xf32, #tpu.memory_space<vmem>> -> memref<1x128xf32, #tpu.memory_space<vmem>>
    %dma_start3A_311 = tpu.memref_squeeze %dma_start3A_310 : memref<1x128xf32, #tpu.memory_space<vmem>> -> memref<128xf32, #tpu.memory_space<vmem>>
    tpu.enqueue_dma source(%dma_start3A_311 : memref<128xf32, #tpu.memory_space<vmem>>) target(%dma_start3A_308 : memref<128xf32, #tpu.memory_space<hbm>>) target_semaphore(%arg8 : memref<!tpu.dma_semaphore, #tpu.memory_space<semaphore_mem>>)
    %add3A_312 = arith.constant 768 : i32
    %add3A_313 = arith.addi %add3A, %add3A_312 : i32
    %mul3A_314 = arith.constant 128 : i32
    %mul3A_315 = arith.muli %add3A_313, %mul3A_314 : i32
    %dma_start3A_316 = arith.constant 24 : i32
    %dma_start3A_317 = arith.constant 0 : i32
    %dma_start3A_318 = tpu.memref_slice %arg6[%dma_start3A_316, %dma_start3A_317] : memref<26x128xf32, #tpu.memory_space<vmem>> -> memref<1x128xf32, #tpu.memory_space<vmem>>
    %dma_start3A_319 = tpu.memref_squeeze %dma_start3A_318 : memref<1x128xf32, #tpu.memory_space<vmem>> -> memref<128xf32, #tpu.memory_space<vmem>>
    %dma_start3A_320 = tpu.memref_slice %arg4[%mul3A_315] : memref<106496xf32, #tpu.memory_space<hbm>> -> memref<128xf32, #tpu.memory_space<hbm>>
    %dma_start3A_321 = tpu.memref_slice %arg4[%mul3A_315] : memref<106496xf32, #tpu.memory_space<hbm>> -> memref<128xf32, #tpu.memory_space<hbm>>
    %dma_start3A_322 = arith.constant 0 : i32
    %dma_start3A_323 = tpu.memref_slice %arg6[%dma_start3A_316, %dma_start3A_322] : memref<26x128xf32, #tpu.memory_space<vmem>> -> memref<1x128xf32, #tpu.memory_space<vmem>>
    %dma_start3A_324 = tpu.memref_squeeze %dma_start3A_323 : memref<1x128xf32, #tpu.memory_space<vmem>> -> memref<128xf32, #tpu.memory_space<vmem>>
    tpu.enqueue_dma source(%dma_start3A_324 : memref<128xf32, #tpu.memory_space<vmem>>) target(%dma_start3A_321 : memref<128xf32, #tpu.memory_space<hbm>>) target_semaphore(%arg8 : memref<!tpu.dma_semaphore, #tpu.memory_space<semaphore_mem>>)
    %add3A_325 = arith.constant 800 : i32
    %add3A_326 = arith.addi %add3A, %add3A_325 : i32
    %mul3A_327 = arith.constant 128 : i32
    %mul3A_328 = arith.muli %add3A_326, %mul3A_327 : i32
    %dma_start3A_329 = arith.constant 25 : i32
    %dma_start3A_330 = arith.constant 0 : i32
    %dma_start3A_331 = tpu.memref_slice %arg6[%dma_start3A_329, %dma_start3A_330] : memref<26x128xf32, #tpu.memory_space<vmem>> -> memref<1x128xf32, #tpu.memory_space<vmem>>
    %dma_start3A_332 = tpu.memref_squeeze %dma_start3A_331 : memref<1x128xf32, #tpu.memory_space<vmem>> -> memref<128xf32, #tpu.memory_space<vmem>>
    %dma_start3A_333 = tpu.memref_slice %arg4[%mul3A_328] : memref<106496xf32, #tpu.memory_space<hbm>> -> memref<128xf32, #tpu.memory_space<hbm>>
    %dma_start3A_334 = tpu.memref_slice %arg4[%mul3A_328] : memref<106496xf32, #tpu.memory_space<hbm>> -> memref<128xf32, #tpu.memory_space<hbm>>
    %dma_start3A_335 = arith.constant 0 : i32
    %dma_start3A_336 = tpu.memref_slice %arg6[%dma_start3A_329, %dma_start3A_335] : memref<26x128xf32, #tpu.memory_space<vmem>> -> memref<1x128xf32, #tpu.memory_space<vmem>>
    %dma_start3A_337 = tpu.memref_squeeze %dma_start3A_336 : memref<1x128xf32, #tpu.memory_space<vmem>> -> memref<128xf32, #tpu.memory_space<vmem>>
    tpu.enqueue_dma source(%dma_start3A_337 : memref<128xf32, #tpu.memory_space<vmem>>) target(%dma_start3A_334 : memref<128xf32, #tpu.memory_space<hbm>>) target_semaphore(%arg8 : memref<!tpu.dma_semaphore, #tpu.memory_space<semaphore_mem>>)
    %dma_wait3A = arith.constant 0 : i32
    %dma_wait3A_338 = arith.constant 0 : i32
    %dma_wait3A_339 = tpu.memref_slice %arg6[%dma_wait3A, %dma_wait3A_338] : memref<26x128xf32, #tpu.memory_space<vmem>> -> memref<1x128xf32, #tpu.memory_space<vmem>>
    %dma_wait3A_340 = tpu.memref_squeeze %dma_wait3A_339 : memref<1x128xf32, #tpu.memory_space<vmem>> -> memref<128xf32, #tpu.memory_space<vmem>>
    %dma_wait3A_341 = tpu.memref_slice %arg4[%mul3A_4] : memref<106496xf32, #tpu.memory_space<hbm>> -> memref<128xf32, #tpu.memory_space<hbm>>
    %dma_wait3A_342 = tpu.memref_slice %arg4[%mul3A_4] : memref<106496xf32, #tpu.memory_space<hbm>> -> memref<128xf32, #tpu.memory_space<hbm>>
    %dma_wait3A_343 = arith.constant 0 : i32
    %dma_wait3A_344 = tpu.memref_slice %arg6[%dma_wait3A, %dma_wait3A_343] : memref<26x128xf32, #tpu.memory_space<vmem>> -> memref<1x128xf32, #tpu.memory_space<vmem>>
    %dma_wait3A_345 = tpu.memref_squeeze %dma_wait3A_344 : memref<1x128xf32, #tpu.memory_space<vmem>> -> memref<128xf32, #tpu.memory_space<vmem>>
    tpu.wait_dma2 semaphore(%arg8 : memref<!tpu.dma_semaphore, #tpu.memory_space<semaphore_mem>>) src(%dma_wait3A_345 : memref<128xf32, #tpu.memory_space<vmem>>) dst(%dma_wait3A_342 : memref<128xf32, #tpu.memory_space<hbm>>)
    %dma_wait3A_346 = arith.constant 1 : i32
    %dma_wait3A_347 = arith.constant 0 : i32
    %dma_wait3A_348 = tpu.memref_slice %arg6[%dma_wait3A_346, %dma_wait3A_347] : memref<26x128xf32, #tpu.memory_space<vmem>> -> memref<1x128xf32, #tpu.memory_space<vmem>>
    %dma_wait3A_349 = tpu.memref_squeeze %dma_wait3A_348 : memref<1x128xf32, #tpu.memory_space<vmem>> -> memref<128xf32, #tpu.memory_space<vmem>>
    %dma_wait3A_350 = tpu.memref_slice %arg4[%mul3A_16] : memref<106496xf32, #tpu.memory_space<hbm>> -> memref<128xf32, #tpu.memory_space<hbm>>
    %dma_wait3A_351 = tpu.memref_slice %arg4[%mul3A_16] : memref<106496xf32, #tpu.memory_space<hbm>> -> memref<128xf32, #tpu.memory_space<hbm>>
    %dma_wait3A_352 = arith.constant 0 : i32
    %dma_wait3A_353 = tpu.memref_slice %arg6[%dma_wait3A_346, %dma_wait3A_352] : memref<26x128xf32, #tpu.memory_space<vmem>> -> memref<1x128xf32, #tpu.memory_space<vmem>>
    %dma_wait3A_354 = tpu.memref_squeeze %dma_wait3A_353 : memref<1x128xf32, #tpu.memory_space<vmem>> -> memref<128xf32, #tpu.memory_space<vmem>>
    tpu.wait_dma2 semaphore(%arg8 : memref<!tpu.dma_semaphore, #tpu.memory_space<semaphore_mem>>) src(%dma_wait3A_354 : memref<128xf32, #tpu.memory_space<vmem>>) dst(%dma_wait3A_351 : memref<128xf32, #tpu.memory_space<hbm>>)
    %dma_wait3A_355 = arith.constant 2 : i32
    %dma_wait3A_356 = arith.constant 0 : i32
    %dma_wait3A_357 = tpu.memref_slice %arg6[%dma_wait3A_355, %dma_wait3A_356] : memref<26x128xf32, #tpu.memory_space<vmem>> -> memref<1x128xf32, #tpu.memory_space<vmem>>
    %dma_wait3A_358 = tpu.memref_squeeze %dma_wait3A_357 : memref<1x128xf32, #tpu.memory_space<vmem>> -> memref<128xf32, #tpu.memory_space<vmem>>
    %dma_wait3A_359 = tpu.memref_slice %arg4[%mul3A_29] : memref<106496xf32, #tpu.memory_space<hbm>> -> memref<128xf32, #tpu.memory_space<hbm>>
    %dma_wait3A_360 = tpu.memref_slice %arg4[%mul3A_29] : memref<106496xf32, #tpu.memory_space<hbm>> -> memref<128xf32, #tpu.memory_space<hbm>>
    %dma_wait3A_361 = arith.constant 0 : i32
    %dma_wait3A_362 = tpu.memref_slice %arg6[%dma_wait3A_355, %dma_wait3A_361] : memref<26x128xf32, #tpu.memory_space<vmem>> -> memref<1x128xf32, #tpu.memory_space<vmem>>
    %dma_wait3A_363 = tpu.memref_squeeze %dma_wait3A_362 : memref<1x128xf32, #tpu.memory_space<vmem>> -> memref<128xf32, #tpu.memory_space<vmem>>
    tpu.wait_dma2 semaphore(%arg8 : memref<!tpu.dma_semaphore, #tpu.memory_space<semaphore_mem>>) src(%dma_wait3A_363 : memref<128xf32, #tpu.memory_space<vmem>>) dst(%dma_wait3A_360 : memref<128xf32, #tpu.memory_space<hbm>>)
    %dma_wait3A_364 = arith.constant 3 : i32
    %dma_wait3A_365 = arith.constant 0 : i32
    %dma_wait3A_366 = tpu.memref_slice %arg6[%dma_wait3A_364, %dma_wait3A_365] : memref<26x128xf32, #tpu.memory_space<vmem>> -> memref<1x128xf32, #tpu.memory_space<vmem>>
    %dma_wait3A_367 = tpu.memref_squeeze %dma_wait3A_366 : memref<1x128xf32, #tpu.memory_space<vmem>> -> memref<128xf32, #tpu.memory_space<vmem>>
    %dma_wait3A_368 = tpu.memref_slice %arg4[%mul3A_42] : memref<106496xf32, #tpu.memory_space<hbm>> -> memref<128xf32, #tpu.memory_space<hbm>>
    %dma_wait3A_369 = tpu.memref_slice %arg4[%mul3A_42] : memref<106496xf32, #tpu.memory_space<hbm>> -> memref<128xf32, #tpu.memory_space<hbm>>
    %dma_wait3A_370 = arith.constant 0 : i32
    %dma_wait3A_371 = tpu.memref_slice %arg6[%dma_wait3A_364, %dma_wait3A_370] : memref<26x128xf32, #tpu.memory_space<vmem>> -> memref<1x128xf32, #tpu.memory_space<vmem>>
    %dma_wait3A_372 = tpu.memref_squeeze %dma_wait3A_371 : memref<1x128xf32, #tpu.memory_space<vmem>> -> memref<128xf32, #tpu.memory_space<vmem>>
    tpu.wait_dma2 semaphore(%arg8 : memref<!tpu.dma_semaphore, #tpu.memory_space<semaphore_mem>>) src(%dma_wait3A_372 : memref<128xf32, #tpu.memory_space<vmem>>) dst(%dma_wait3A_369 : memref<128xf32, #tpu.memory_space<hbm>>)
    %dma_wait3A_373 = arith.constant 4 : i32
    %dma_wait3A_374 = arith.constant 0 : i32
    %dma_wait3A_375 = tpu.memref_slice %arg6[%dma_wait3A_373, %dma_wait3A_374] : memref<26x128xf32, #tpu.memory_space<vmem>> -> memref<1x128xf32, #tpu.memory_space<vmem>>
    %dma_wait3A_376 = tpu.memref_squeeze %dma_wait3A_375 : memref<1x128xf32, #tpu.memory_space<vmem>> -> memref<128xf32, #tpu.memory_space<vmem>>
    %dma_wait3A_377 = tpu.memref_slice %arg4[%mul3A_55] : memref<106496xf32, #tpu.memory_space<hbm>> -> memref<128xf32, #tpu.memory_space<hbm>>
    %dma_wait3A_378 = tpu.memref_slice %arg4[%mul3A_55] : memref<106496xf32, #tpu.memory_space<hbm>> -> memref<128xf32, #tpu.memory_space<hbm>>
    %dma_wait3A_379 = arith.constant 0 : i32
    %dma_wait3A_380 = tpu.memref_slice %arg6[%dma_wait3A_373, %dma_wait3A_379] : memref<26x128xf32, #tpu.memory_space<vmem>> -> memref<1x128xf32, #tpu.memory_space<vmem>>
    %dma_wait3A_381 = tpu.memref_squeeze %dma_wait3A_380 : memref<1x128xf32, #tpu.memory_space<vmem>> -> memref<128xf32, #tpu.memory_space<vmem>>
    tpu.wait_dma2 semaphore(%arg8 : memref<!tpu.dma_semaphore, #tpu.memory_space<semaphore_mem>>) src(%dma_wait3A_381 : memref<128xf32, #tpu.memory_space<vmem>>) dst(%dma_wait3A_378 : memref<128xf32, #tpu.memory_space<hbm>>)
    %dma_wait3A_382 = arith.constant 5 : i32
    %dma_wait3A_383 = arith.constant 0 : i32
    %dma_wait3A_384 = tpu.memref_slice %arg6[%dma_wait3A_382, %dma_wait3A_383] : memref<26x128xf32, #tpu.memory_space<vmem>> -> memref<1x128xf32, #tpu.memory_space<vmem>>
    %dma_wait3A_385 = tpu.memref_squeeze %dma_wait3A_384 : memref<1x128xf32, #tpu.memory_space<vmem>> -> memref<128xf32, #tpu.memory_space<vmem>>
    %dma_wait3A_386 = tpu.memref_slice %arg4[%mul3A_68] : memref<106496xf32, #tpu.memory_space<hbm>> -> memref<128xf32, #tpu.memory_space<hbm>>
    %dma_wait3A_387 = tpu.memref_slice %arg4[%mul3A_68] : memref<106496xf32, #tpu.memory_space<hbm>> -> memref<128xf32, #tpu.memory_space<hbm>>
    %dma_wait3A_388 = arith.constant 0 : i32
    %dma_wait3A_389 = tpu.memref_slice %arg6[%dma_wait3A_382, %dma_wait3A_388] : memref<26x128xf32, #tpu.memory_space<vmem>> -> memref<1x128xf32, #tpu.memory_space<vmem>>
    %dma_wait3A_390 = tpu.memref_squeeze %dma_wait3A_389 : memref<1x128xf32, #tpu.memory_space<vmem>> -> memref<128xf32, #tpu.memory_space<vmem>>
    tpu.wait_dma2 semaphore(%arg8 : memref<!tpu.dma_semaphore, #tpu.memory_space<semaphore_mem>>) src(%dma_wait3A_390 : memref<128xf32, #tpu.memory_space<vmem>>) dst(%dma_wait3A_387 : memref<128xf32, #tpu.memory_space<hbm>>)
    %dma_wait3A_391 = arith.constant 6 : i32
    %dma_wait3A_392 = arith.constant 0 : i32
    %dma_wait3A_393 = tpu.memref_slice %arg6[%dma_wait3A_391, %dma_wait3A_392] : memref<26x128xf32, #tpu.memory_space<vmem>> -> memref<1x128xf32, #tpu.memory_space<vmem>>
    %dma_wait3A_394 = tpu.memref_squeeze %dma_wait3A_393 : memref<1x128xf32, #tpu.memory_space<vmem>> -> memref<128xf32, #tpu.memory_space<vmem>>
    %dma_wait3A_395 = tpu.memref_slice %arg4[%mul3A_81] : memref<106496xf32, #tpu.memory_space<hbm>> -> memref<128xf32, #tpu.memory_space<hbm>>
    %dma_wait3A_396 = tpu.memref_slice %arg4[%mul3A_81] : memref<106496xf32, #tpu.memory_space<hbm>> -> memref<128xf32, #tpu.memory_space<hbm>>
    %dma_wait3A_397 = arith.constant 0 : i32
    %dma_wait3A_398 = tpu.memref_slice %arg6[%dma_wait3A_391, %dma_wait3A_397] : memref<26x128xf32, #tpu.memory_space<vmem>> -> memref<1x128xf32, #tpu.memory_space<vmem>>
    %dma_wait3A_399 = tpu.memref_squeeze %dma_wait3A_398 : memref<1x128xf32, #tpu.memory_space<vmem>> -> memref<128xf32, #tpu.memory_space<vmem>>
    tpu.wait_dma2 semaphore(%arg8 : memref<!tpu.dma_semaphore, #tpu.memory_space<semaphore_mem>>) src(%dma_wait3A_399 : memref<128xf32, #tpu.memory_space<vmem>>) dst(%dma_wait3A_396 : memref<128xf32, #tpu.memory_space<hbm>>)
    %dma_wait3A_400 = arith.constant 7 : i32
    %dma_wait3A_401 = arith.constant 0 : i32
    %dma_wait3A_402 = tpu.memref_slice %arg6[%dma_wait3A_400, %dma_wait3A_401] : memref<26x128xf32, #tpu.memory_space<vmem>> -> memref<1x128xf32, #tpu.memory_space<vmem>>
    %dma_wait3A_403 = tpu.memref_squeeze %dma_wait3A_402 : memref<1x128xf32, #tpu.memory_space<vmem>> -> memref<128xf32, #tpu.memory_space<vmem>>
    %dma_wait3A_404 = tpu.memref_slice %arg4[%mul3A_94] : memref<106496xf32, #tpu.memory_space<hbm>> -> memref<128xf32, #tpu.memory_space<hbm>>
    %dma_wait3A_405 = tpu.memref_slice %arg4[%mul3A_94] : memref<106496xf32, #tpu.memory_space<hbm>> -> memref<128xf32, #tpu.memory_space<hbm>>
    %dma_wait3A_406 = arith.constant 0 : i32
    %dma_wait3A_407 = tpu.memref_slice %arg6[%dma_wait3A_400, %dma_wait3A_406] : memref<26x128xf32, #tpu.memory_space<vmem>> -> memref<1x128xf32, #tpu.memory_space<vmem>>
    %dma_wait3A_408 = tpu.memref_squeeze %dma_wait3A_407 : memref<1x128xf32, #tpu.memory_space<vmem>> -> memref<128xf32, #tpu.memory_space<vmem>>
    tpu.wait_dma2 semaphore(%arg8 : memref<!tpu.dma_semaphore, #tpu.memory_space<semaphore_mem>>) src(%dma_wait3A_408 : memref<128xf32, #tpu.memory_space<vmem>>) dst(%dma_wait3A_405 : memref<128xf32, #tpu.memory_space<hbm>>)
    %dma_wait3A_409 = arith.constant 8 : i32
    %dma_wait3A_410 = arith.constant 0 : i32
    %dma_wait3A_411 = tpu.memref_slice %arg6[%dma_wait3A_409, %dma_wait3A_410] : memref<26x128xf32, #tpu.memory_space<vmem>> -> memref<1x128xf32, #tpu.memory_space<vmem>>
    %dma_wait3A_412 = tpu.memref_squeeze %dma_wait3A_411 : memref<1x128xf32, #tpu.memory_space<vmem>> -> memref<128xf32, #tpu.memory_space<vmem>>
    %dma_wait3A_413 = tpu.memref_slice %arg4[%mul3A_107] : memref<106496xf32, #tpu.memory_space<hbm>> -> memref<128xf32, #tpu.memory_space<hbm>>
    %dma_wait3A_414 = tpu.memref_slice %arg4[%mul3A_107] : memref<106496xf32, #tpu.memory_space<hbm>> -> memref<128xf32, #tpu.memory_space<hbm>>
    %dma_wait3A_415 = arith.constant 0 : i32
    %dma_wait3A_416 = tpu.memref_slice %arg6[%dma_wait3A_409, %dma_wait3A_415] : memref<26x128xf32, #tpu.memory_space<vmem>> -> memref<1x128xf32, #tpu.memory_space<vmem>>
    %dma_wait3A_417 = tpu.memref_squeeze %dma_wait3A_416 : memref<1x128xf32, #tpu.memory_space<vmem>> -> memref<128xf32, #tpu.memory_space<vmem>>
    tpu.wait_dma2 semaphore(%arg8 : memref<!tpu.dma_semaphore, #tpu.memory_space<semaphore_mem>>) src(%dma_wait3A_417 : memref<128xf32, #tpu.memory_space<vmem>>) dst(%dma_wait3A_414 : memref<128xf32, #tpu.memory_space<hbm>>)
    %dma_wait3A_418 = arith.constant 9 : i32
    %dma_wait3A_419 = arith.constant 0 : i32
    %dma_wait3A_420 = tpu.memref_slice %arg6[%dma_wait3A_418, %dma_wait3A_419] : memref<26x128xf32, #tpu.memory_space<vmem>> -> memref<1x128xf32, #tpu.memory_space<vmem>>
    %dma_wait3A_421 = tpu.memref_squeeze %dma_wait3A_420 : memref<1x128xf32, #tpu.memory_space<vmem>> -> memref<128xf32, #tpu.memory_space<vmem>>
    %dma_wait3A_422 = tpu.memref_slice %arg4[%mul3A_120] : memref<106496xf32, #tpu.memory_space<hbm>> -> memref<128xf32, #tpu.memory_space<hbm>>
    %dma_wait3A_423 = tpu.memref_slice %arg4[%mul3A_120] : memref<106496xf32, #tpu.memory_space<hbm>> -> memref<128xf32, #tpu.memory_space<hbm>>
    %dma_wait3A_424 = arith.constant 0 : i32
    %dma_wait3A_425 = tpu.memref_slice %arg6[%dma_wait3A_418, %dma_wait3A_424] : memref<26x128xf32, #tpu.memory_space<vmem>> -> memref<1x128xf32, #tpu.memory_space<vmem>>
    %dma_wait3A_426 = tpu.memref_squeeze %dma_wait3A_425 : memref<1x128xf32, #tpu.memory_space<vmem>> -> memref<128xf32, #tpu.memory_space<vmem>>
    tpu.wait_dma2 semaphore(%arg8 : memref<!tpu.dma_semaphore, #tpu.memory_space<semaphore_mem>>) src(%dma_wait3A_426 : memref<128xf32, #tpu.memory_space<vmem>>) dst(%dma_wait3A_423 : memref<128xf32, #tpu.memory_space<hbm>>)
    %dma_wait3A_427 = arith.constant 10 : i32
    %dma_wait3A_428 = arith.constant 0 : i32
    %dma_wait3A_429 = tpu.memref_slice %arg6[%dma_wait3A_427, %dma_wait3A_428] : memref<26x128xf32, #tpu.memory_space<vmem>> -> memref<1x128xf32, #tpu.memory_space<vmem>>
    %dma_wait3A_430 = tpu.memref_squeeze %dma_wait3A_429 : memref<1x128xf32, #tpu.memory_space<vmem>> -> memref<128xf32, #tpu.memory_space<vmem>>
    %dma_wait3A_431 = tpu.memref_slice %arg4[%mul3A_133] : memref<106496xf32, #tpu.memory_space<hbm>> -> memref<128xf32, #tpu.memory_space<hbm>>
    %dma_wait3A_432 = tpu.memref_slice %arg4[%mul3A_133] : memref<106496xf32, #tpu.memory_space<hbm>> -> memref<128xf32, #tpu.memory_space<hbm>>
    %dma_wait3A_433 = arith.constant 0 : i32
    %dma_wait3A_434 = tpu.memref_slice %arg6[%dma_wait3A_427, %dma_wait3A_433] : memref<26x128xf32, #tpu.memory_space<vmem>> -> memref<1x128xf32, #tpu.memory_space<vmem>>
    %dma_wait3A_435 = tpu.memref_squeeze %dma_wait3A_434 : memref<1x128xf32, #tpu.memory_space<vmem>> -> memref<128xf32, #tpu.memory_space<vmem>>
    tpu.wait_dma2 semaphore(%arg8 : memref<!tpu.dma_semaphore, #tpu.memory_space<semaphore_mem>>) src(%dma_wait3A_435 : memref<128xf32, #tpu.memory_space<vmem>>) dst(%dma_wait3A_432 : memref<128xf32, #tpu.memory_space<hbm>>)
    %dma_wait3A_436 = arith.constant 11 : i32
    %dma_wait3A_437 = arith.constant 0 : i32
    %dma_wait3A_438 = tpu.memref_slice %arg6[%dma_wait3A_436, %dma_wait3A_437] : memref<26x128xf32, #tpu.memory_space<vmem>> -> memref<1x128xf32, #tpu.memory_space<vmem>>
    %dma_wait3A_439 = tpu.memref_squeeze %dma_wait3A_438 : memref<1x128xf32, #tpu.memory_space<vmem>> -> memref<128xf32, #tpu.memory_space<vmem>>
    %dma_wait3A_440 = tpu.memref_slice %arg4[%mul3A_146] : memref<106496xf32, #tpu.memory_space<hbm>> -> memref<128xf32, #tpu.memory_space<hbm>>
    %dma_wait3A_441 = tpu.memref_slice %arg4[%mul3A_146] : memref<106496xf32, #tpu.memory_space<hbm>> -> memref<128xf32, #tpu.memory_space<hbm>>
    %dma_wait3A_442 = arith.constant 0 : i32
    %dma_wait3A_443 = tpu.memref_slice %arg6[%dma_wait3A_436, %dma_wait3A_442] : memref<26x128xf32, #tpu.memory_space<vmem>> -> memref<1x128xf32, #tpu.memory_space<vmem>>
    %dma_wait3A_444 = tpu.memref_squeeze %dma_wait3A_443 : memref<1x128xf32, #tpu.memory_space<vmem>> -> memref<128xf32, #tpu.memory_space<vmem>>
    tpu.wait_dma2 semaphore(%arg8 : memref<!tpu.dma_semaphore, #tpu.memory_space<semaphore_mem>>) src(%dma_wait3A_444 : memref<128xf32, #tpu.memory_space<vmem>>) dst(%dma_wait3A_441 : memref<128xf32, #tpu.memory_space<hbm>>)
    %dma_wait3A_445 = arith.constant 12 : i32
    %dma_wait3A_446 = arith.constant 0 : i32
    %dma_wait3A_447 = tpu.memref_slice %arg6[%dma_wait3A_445, %dma_wait3A_446] : memref<26x128xf32, #tpu.memory_space<vmem>> -> memref<1x128xf32, #tpu.memory_space<vmem>>
    %dma_wait3A_448 = tpu.memref_squeeze %dma_wait3A_447 : memref<1x128xf32, #tpu.memory_space<vmem>> -> memref<128xf32, #tpu.memory_space<vmem>>
    %dma_wait3A_449 = tpu.memref_slice %arg4[%mul3A_159] : memref<106496xf32, #tpu.memory_space<hbm>> -> memref<128xf32, #tpu.memory_space<hbm>>
    %dma_wait3A_450 = tpu.memref_slice %arg4[%mul3A_159] : memref<106496xf32, #tpu.memory_space<hbm>> -> memref<128xf32, #tpu.memory_space<hbm>>
    %dma_wait3A_451 = arith.constant 0 : i32
    %dma_wait3A_452 = tpu.memref_slice %arg6[%dma_wait3A_445, %dma_wait3A_451] : memref<26x128xf32, #tpu.memory_space<vmem>> -> memref<1x128xf32, #tpu.memory_space<vmem>>
    %dma_wait3A_453 = tpu.memref_squeeze %dma_wait3A_452 : memref<1x128xf32, #tpu.memory_space<vmem>> -> memref<128xf32, #tpu.memory_space<vmem>>
    tpu.wait_dma2 semaphore(%arg8 : memref<!tpu.dma_semaphore, #tpu.memory_space<semaphore_mem>>) src(%dma_wait3A_453 : memref<128xf32, #tpu.memory_space<vmem>>) dst(%dma_wait3A_450 : memref<128xf32, #tpu.memory_space<hbm>>)
    %dma_wait3A_454 = arith.constant 13 : i32
    %dma_wait3A_455 = arith.constant 0 : i32
    %dma_wait3A_456 = tpu.memref_slice %arg6[%dma_wait3A_454, %dma_wait3A_455] : memref<26x128xf32, #tpu.memory_space<vmem>> -> memref<1x128xf32, #tpu.memory_space<vmem>>
    %dma_wait3A_457 = tpu.memref_squeeze %dma_wait3A_456 : memref<1x128xf32, #tpu.memory_space<vmem>> -> memref<128xf32, #tpu.memory_space<vmem>>
    %dma_wait3A_458 = tpu.memref_slice %arg4[%mul3A_172] : memref<106496xf32, #tpu.memory_space<hbm>> -> memref<128xf32, #tpu.memory_space<hbm>>
    %dma_wait3A_459 = tpu.memref_slice %arg4[%mul3A_172] : memref<106496xf32, #tpu.memory_space<hbm>> -> memref<128xf32, #tpu.memory_space<hbm>>
    %dma_wait3A_460 = arith.constant 0 : i32
    %dma_wait3A_461 = tpu.memref_slice %arg6[%dma_wait3A_454, %dma_wait3A_460] : memref<26x128xf32, #tpu.memory_space<vmem>> -> memref<1x128xf32, #tpu.memory_space<vmem>>
    %dma_wait3A_462 = tpu.memref_squeeze %dma_wait3A_461 : memref<1x128xf32, #tpu.memory_space<vmem>> -> memref<128xf32, #tpu.memory_space<vmem>>
    tpu.wait_dma2 semaphore(%arg8 : memref<!tpu.dma_semaphore, #tpu.memory_space<semaphore_mem>>) src(%dma_wait3A_462 : memref<128xf32, #tpu.memory_space<vmem>>) dst(%dma_wait3A_459 : memref<128xf32, #tpu.memory_space<hbm>>)
    %dma_wait3A_463 = arith.constant 14 : i32
    %dma_wait3A_464 = arith.constant 0 : i32
    %dma_wait3A_465 = tpu.memref_slice %arg6[%dma_wait3A_463, %dma_wait3A_464] : memref<26x128xf32, #tpu.memory_space<vmem>> -> memref<1x128xf32, #tpu.memory_space<vmem>>
    %dma_wait3A_466 = tpu.memref_squeeze %dma_wait3A_465 : memref<1x128xf32, #tpu.memory_space<vmem>> -> memref<128xf32, #tpu.memory_space<vmem>>
    %dma_wait3A_467 = tpu.memref_slice %arg4[%mul3A_185] : memref<106496xf32, #tpu.memory_space<hbm>> -> memref<128xf32, #tpu.memory_space<hbm>>
    %dma_wait3A_468 = tpu.memref_slice %arg4[%mul3A_185] : memref<106496xf32, #tpu.memory_space<hbm>> -> memref<128xf32, #tpu.memory_space<hbm>>
    %dma_wait3A_469 = arith.constant 0 : i32
    %dma_wait3A_470 = tpu.memref_slice %arg6[%dma_wait3A_463, %dma_wait3A_469] : memref<26x128xf32, #tpu.memory_space<vmem>> -> memref<1x128xf32, #tpu.memory_space<vmem>>
    %dma_wait3A_471 = tpu.memref_squeeze %dma_wait3A_470 : memref<1x128xf32, #tpu.memory_space<vmem>> -> memref<128xf32, #tpu.memory_space<vmem>>
    tpu.wait_dma2 semaphore(%arg8 : memref<!tpu.dma_semaphore, #tpu.memory_space<semaphore_mem>>) src(%dma_wait3A_471 : memref<128xf32, #tpu.memory_space<vmem>>) dst(%dma_wait3A_468 : memref<128xf32, #tpu.memory_space<hbm>>)
    %dma_wait3A_472 = arith.constant 15 : i32
    %dma_wait3A_473 = arith.constant 0 : i32
    %dma_wait3A_474 = tpu.memref_slice %arg6[%dma_wait3A_472, %dma_wait3A_473] : memref<26x128xf32, #tpu.memory_space<vmem>> -> memref<1x128xf32, #tpu.memory_space<vmem>>
    %dma_wait3A_475 = tpu.memref_squeeze %dma_wait3A_474 : memref<1x128xf32, #tpu.memory_space<vmem>> -> memref<128xf32, #tpu.memory_space<vmem>>
    %dma_wait3A_476 = tpu.memref_slice %arg4[%mul3A_198] : memref<106496xf32, #tpu.memory_space<hbm>> -> memref<128xf32, #tpu.memory_space<hbm>>
    %dma_wait3A_477 = tpu.memref_slice %arg4[%mul3A_198] : memref<106496xf32, #tpu.memory_space<hbm>> -> memref<128xf32, #tpu.memory_space<hbm>>
    %dma_wait3A_478 = arith.constant 0 : i32
    %dma_wait3A_479 = tpu.memref_slice %arg6[%dma_wait3A_472, %dma_wait3A_478] : memref<26x128xf32, #tpu.memory_space<vmem>> -> memref<1x128xf32, #tpu.memory_space<vmem>>
    %dma_wait3A_480 = tpu.memref_squeeze %dma_wait3A_479 : memref<1x128xf32, #tpu.memory_space<vmem>> -> memref<128xf32, #tpu.memory_space<vmem>>
    tpu.wait_dma2 semaphore(%arg8 : memref<!tpu.dma_semaphore, #tpu.memory_space<semaphore_mem>>) src(%dma_wait3A_480 : memref<128xf32, #tpu.memory_space<vmem>>) dst(%dma_wait3A_477 : memref<128xf32, #tpu.memory_space<hbm>>)
    %dma_wait3A_481 = arith.constant 16 : i32
    %dma_wait3A_482 = arith.constant 0 : i32
    %dma_wait3A_483 = tpu.memref_slice %arg6[%dma_wait3A_481, %dma_wait3A_482] : memref<26x128xf32, #tpu.memory_space<vmem>> -> memref<1x128xf32, #tpu.memory_space<vmem>>
    %dma_wait3A_484 = tpu.memref_squeeze %dma_wait3A_483 : memref<1x128xf32, #tpu.memory_space<vmem>> -> memref<128xf32, #tpu.memory_space<vmem>>
    %dma_wait3A_485 = tpu.memref_slice %arg4[%mul3A_211] : memref<106496xf32, #tpu.memory_space<hbm>> -> memref<128xf32, #tpu.memory_space<hbm>>
    %dma_wait3A_486 = tpu.memref_slice %arg4[%mul3A_211] : memref<106496xf32, #tpu.memory_space<hbm>> -> memref<128xf32, #tpu.memory_space<hbm>>
    %dma_wait3A_487 = arith.constant 0 : i32
    %dma_wait3A_488 = tpu.memref_slice %arg6[%dma_wait3A_481, %dma_wait3A_487] : memref<26x128xf32, #tpu.memory_space<vmem>> -> memref<1x128xf32, #tpu.memory_space<vmem>>
    %dma_wait3A_489 = tpu.memref_squeeze %dma_wait3A_488 : memref<1x128xf32, #tpu.memory_space<vmem>> -> memref<128xf32, #tpu.memory_space<vmem>>
    tpu.wait_dma2 semaphore(%arg8 : memref<!tpu.dma_semaphore, #tpu.memory_space<semaphore_mem>>) src(%dma_wait3A_489 : memref<128xf32, #tpu.memory_space<vmem>>) dst(%dma_wait3A_486 : memref<128xf32, #tpu.memory_space<hbm>>)
    %dma_wait3A_490 = arith.constant 17 : i32
    %dma_wait3A_491 = arith.constant 0 : i32
    %dma_wait3A_492 = tpu.memref_slice %arg6[%dma_wait3A_490, %dma_wait3A_491] : memref<26x128xf32, #tpu.memory_space<vmem>> -> memref<1x128xf32, #tpu.memory_space<vmem>>
    %dma_wait3A_493 = tpu.memref_squeeze %dma_wait3A_492 : memref<1x128xf32, #tpu.memory_space<vmem>> -> memref<128xf32, #tpu.memory_space<vmem>>
    %dma_wait3A_494 = tpu.memref_slice %arg4[%mul3A_224] : memref<106496xf32, #tpu.memory_space<hbm>> -> memref<128xf32, #tpu.memory_space<hbm>>
    %dma_wait3A_495 = tpu.memref_slice %arg4[%mul3A_224] : memref<106496xf32, #tpu.memory_space<hbm>> -> memref<128xf32, #tpu.memory_space<hbm>>
    %dma_wait3A_496 = arith.constant 0 : i32
    %dma_wait3A_497 = tpu.memref_slice %arg6[%dma_wait3A_490, %dma_wait3A_496] : memref<26x128xf32, #tpu.memory_space<vmem>> -> memref<1x128xf32, #tpu.memory_space<vmem>>
    %dma_wait3A_498 = tpu.memref_squeeze %dma_wait3A_497 : memref<1x128xf32, #tpu.memory_space<vmem>> -> memref<128xf32, #tpu.memory_space<vmem>>
    tpu.wait_dma2 semaphore(%arg8 : memref<!tpu.dma_semaphore, #tpu.memory_space<semaphore_mem>>) src(%dma_wait3A_498 : memref<128xf32, #tpu.memory_space<vmem>>) dst(%dma_wait3A_495 : memref<128xf32, #tpu.memory_space<hbm>>)
    %dma_wait3A_499 = arith.constant 18 : i32
    %dma_wait3A_500 = arith.constant 0 : i32
    %dma_wait3A_501 = tpu.memref_slice %arg6[%dma_wait3A_499, %dma_wait3A_500] : memref<26x128xf32, #tpu.memory_space<vmem>> -> memref<1x128xf32, #tpu.memory_space<vmem>>
    %dma_wait3A_502 = tpu.memref_squeeze %dma_wait3A_501 : memref<1x128xf32, #tpu.memory_space<vmem>> -> memref<128xf32, #tpu.memory_space<vmem>>
    %dma_wait3A_503 = tpu.memref_slice %arg4[%mul3A_237] : memref<106496xf32, #tpu.memory_space<hbm>> -> memref<128xf32, #tpu.memory_space<hbm>>
    %dma_wait3A_504 = tpu.memref_slice %arg4[%mul3A_237] : memref<106496xf32, #tpu.memory_space<hbm>> -> memref<128xf32, #tpu.memory_space<hbm>>
    %dma_wait3A_505 = arith.constant 0 : i32
    %dma_wait3A_506 = tpu.memref_slice %arg6[%dma_wait3A_499, %dma_wait3A_505] : memref<26x128xf32, #tpu.memory_space<vmem>> -> memref<1x128xf32, #tpu.memory_space<vmem>>
    %dma_wait3A_507 = tpu.memref_squeeze %dma_wait3A_506 : memref<1x128xf32, #tpu.memory_space<vmem>> -> memref<128xf32, #tpu.memory_space<vmem>>
    tpu.wait_dma2 semaphore(%arg8 : memref<!tpu.dma_semaphore, #tpu.memory_space<semaphore_mem>>) src(%dma_wait3A_507 : memref<128xf32, #tpu.memory_space<vmem>>) dst(%dma_wait3A_504 : memref<128xf32, #tpu.memory_space<hbm>>)
    %dma_wait3A_508 = arith.constant 19 : i32
    %dma_wait3A_509 = arith.constant 0 : i32
    %dma_wait3A_510 = tpu.memref_slice %arg6[%dma_wait3A_508, %dma_wait3A_509] : memref<26x128xf32, #tpu.memory_space<vmem>> -> memref<1x128xf32, #tpu.memory_space<vmem>>
    %dma_wait3A_511 = tpu.memref_squeeze %dma_wait3A_510 : memref<1x128xf32, #tpu.memory_space<vmem>> -> memref<128xf32, #tpu.memory_space<vmem>>
    %dma_wait3A_512 = tpu.memref_slice %arg4[%mul3A_250] : memref<106496xf32, #tpu.memory_space<hbm>> -> memref<128xf32, #tpu.memory_space<hbm>>
    %dma_wait3A_513 = tpu.memref_slice %arg4[%mul3A_250] : memref<106496xf32, #tpu.memory_space<hbm>> -> memref<128xf32, #tpu.memory_space<hbm>>
    %dma_wait3A_514 = arith.constant 0 : i32
    %dma_wait3A_515 = tpu.memref_slice %arg6[%dma_wait3A_508, %dma_wait3A_514] : memref<26x128xf32, #tpu.memory_space<vmem>> -> memref<1x128xf32, #tpu.memory_space<vmem>>
    %dma_wait3A_516 = tpu.memref_squeeze %dma_wait3A_515 : memref<1x128xf32, #tpu.memory_space<vmem>> -> memref<128xf32, #tpu.memory_space<vmem>>
    tpu.wait_dma2 semaphore(%arg8 : memref<!tpu.dma_semaphore, #tpu.memory_space<semaphore_mem>>) src(%dma_wait3A_516 : memref<128xf32, #tpu.memory_space<vmem>>) dst(%dma_wait3A_513 : memref<128xf32, #tpu.memory_space<hbm>>)
    %dma_wait3A_517 = arith.constant 20 : i32
    %dma_wait3A_518 = arith.constant 0 : i32
    %dma_wait3A_519 = tpu.memref_slice %arg6[%dma_wait3A_517, %dma_wait3A_518] : memref<26x128xf32, #tpu.memory_space<vmem>> -> memref<1x128xf32, #tpu.memory_space<vmem>>
    %dma_wait3A_520 = tpu.memref_squeeze %dma_wait3A_519 : memref<1x128xf32, #tpu.memory_space<vmem>> -> memref<128xf32, #tpu.memory_space<vmem>>
    %dma_wait3A_521 = tpu.memref_slice %arg4[%mul3A_263] : memref<106496xf32, #tpu.memory_space<hbm>> -> memref<128xf32, #tpu.memory_space<hbm>>
    %dma_wait3A_522 = tpu.memref_slice %arg4[%mul3A_263] : memref<106496xf32, #tpu.memory_space<hbm>> -> memref<128xf32, #tpu.memory_space<hbm>>
    %dma_wait3A_523 = arith.constant 0 : i32
    %dma_wait3A_524 = tpu.memref_slice %arg6[%dma_wait3A_517, %dma_wait3A_523] : memref<26x128xf32, #tpu.memory_space<vmem>> -> memref<1x128xf32, #tpu.memory_space<vmem>>
    %dma_wait3A_525 = tpu.memref_squeeze %dma_wait3A_524 : memref<1x128xf32, #tpu.memory_space<vmem>> -> memref<128xf32, #tpu.memory_space<vmem>>
    tpu.wait_dma2 semaphore(%arg8 : memref<!tpu.dma_semaphore, #tpu.memory_space<semaphore_mem>>) src(%dma_wait3A_525 : memref<128xf32, #tpu.memory_space<vmem>>) dst(%dma_wait3A_522 : memref<128xf32, #tpu.memory_space<hbm>>)
    %dma_wait3A_526 = arith.constant 21 : i32
    %dma_wait3A_527 = arith.constant 0 : i32
    %dma_wait3A_528 = tpu.memref_slice %arg6[%dma_wait3A_526, %dma_wait3A_527] : memref<26x128xf32, #tpu.memory_space<vmem>> -> memref<1x128xf32, #tpu.memory_space<vmem>>
    %dma_wait3A_529 = tpu.memref_squeeze %dma_wait3A_528 : memref<1x128xf32, #tpu.memory_space<vmem>> -> memref<128xf32, #tpu.memory_space<vmem>>
    %dma_wait3A_530 = tpu.memref_slice %arg4[%mul3A_276] : memref<106496xf32, #tpu.memory_space<hbm>> -> memref<128xf32, #tpu.memory_space<hbm>>
    %dma_wait3A_531 = tpu.memref_slice %arg4[%mul3A_276] : memref<106496xf32, #tpu.memory_space<hbm>> -> memref<128xf32, #tpu.memory_space<hbm>>
    %dma_wait3A_532 = arith.constant 0 : i32
    %dma_wait3A_533 = tpu.memref_slice %arg6[%dma_wait3A_526, %dma_wait3A_532] : memref<26x128xf32, #tpu.memory_space<vmem>> -> memref<1x128xf32, #tpu.memory_space<vmem>>
    %dma_wait3A_534 = tpu.memref_squeeze %dma_wait3A_533 : memref<1x128xf32, #tpu.memory_space<vmem>> -> memref<128xf32, #tpu.memory_space<vmem>>
    tpu.wait_dma2 semaphore(%arg8 : memref<!tpu.dma_semaphore, #tpu.memory_space<semaphore_mem>>) src(%dma_wait3A_534 : memref<128xf32, #tpu.memory_space<vmem>>) dst(%dma_wait3A_531 : memref<128xf32, #tpu.memory_space<hbm>>)
    %dma_wait3A_535 = arith.constant 22 : i32
    %dma_wait3A_536 = arith.constant 0 : i32
    %dma_wait3A_537 = tpu.memref_slice %arg6[%dma_wait3A_535, %dma_wait3A_536] : memref<26x128xf32, #tpu.memory_space<vmem>> -> memref<1x128xf32, #tpu.memory_space<vmem>>
    %dma_wait3A_538 = tpu.memref_squeeze %dma_wait3A_537 : memref<1x128xf32, #tpu.memory_space<vmem>> -> memref<128xf32, #tpu.memory_space<vmem>>
    %dma_wait3A_539 = tpu.memref_slice %arg4[%mul3A_289] : memref<106496xf32, #tpu.memory_space<hbm>> -> memref<128xf32, #tpu.memory_space<hbm>>
    %dma_wait3A_540 = tpu.memref_slice %arg4[%mul3A_289] : memref<106496xf32, #tpu.memory_space<hbm>> -> memref<128xf32, #tpu.memory_space<hbm>>
    %dma_wait3A_541 = arith.constant 0 : i32
    %dma_wait3A_542 = tpu.memref_slice %arg6[%dma_wait3A_535, %dma_wait3A_541] : memref<26x128xf32, #tpu.memory_space<vmem>> -> memref<1x128xf32, #tpu.memory_space<vmem>>
    %dma_wait3A_543 = tpu.memref_squeeze %dma_wait3A_542 : memref<1x128xf32, #tpu.memory_space<vmem>> -> memref<128xf32, #tpu.memory_space<vmem>>
    tpu.wait_dma2 semaphore(%arg8 : memref<!tpu.dma_semaphore, #tpu.memory_space<semaphore_mem>>) src(%dma_wait3A_543 : memref<128xf32, #tpu.memory_space<vmem>>) dst(%dma_wait3A_540 : memref<128xf32, #tpu.memory_space<hbm>>)
    %dma_wait3A_544 = arith.constant 23 : i32
    %dma_wait3A_545 = arith.constant 0 : i32
    %dma_wait3A_546 = tpu.memref_slice %arg6[%dma_wait3A_544, %dma_wait3A_545] : memref<26x128xf32, #tpu.memory_space<vmem>> -> memref<1x128xf32, #tpu.memory_space<vmem>>
    %dma_wait3A_547 = tpu.memref_squeeze %dma_wait3A_546 : memref<1x128xf32, #tpu.memory_space<vmem>> -> memref<128xf32, #tpu.memory_space<vmem>>
    %dma_wait3A_548 = tpu.memref_slice %arg4[%mul3A_302] : memref<106496xf32, #tpu.memory_space<hbm>> -> memref<128xf32, #tpu.memory_space<hbm>>
    %dma_wait3A_549 = tpu.memref_slice %arg4[%mul3A_302] : memref<106496xf32, #tpu.memory_space<hbm>> -> memref<128xf32, #tpu.memory_space<hbm>>
    %dma_wait3A_550 = arith.constant 0 : i32
    %dma_wait3A_551 = tpu.memref_slice %arg6[%dma_wait3A_544, %dma_wait3A_550] : memref<26x128xf32, #tpu.memory_space<vmem>> -> memref<1x128xf32, #tpu.memory_space<vmem>>
    %dma_wait3A_552 = tpu.memref_squeeze %dma_wait3A_551 : memref<1x128xf32, #tpu.memory_space<vmem>> -> memref<128xf32, #tpu.memory_space<vmem>>
    tpu.wait_dma2 semaphore(%arg8 : memref<!tpu.dma_semaphore, #tpu.memory_space<semaphore_mem>>) src(%dma_wait3A_552 : memref<128xf32, #tpu.memory_space<vmem>>) dst(%dma_wait3A_549 : memref<128xf32, #tpu.memory_space<hbm>>)
    %dma_wait3A_553 = arith.constant 24 : i32
    %dma_wait3A_554 = arith.constant 0 : i32
    %dma_wait3A_555 = tpu.memref_slice %arg6[%dma_wait3A_553, %dma_wait3A_554] : memref<26x128xf32, #tpu.memory_space<vmem>> -> memref<1x128xf32, #tpu.memory_space<vmem>>
    %dma_wait3A_556 = tpu.memref_squeeze %dma_wait3A_555 : memref<1x128xf32, #tpu.memory_space<vmem>> -> memref<128xf32, #tpu.memory_space<vmem>>
    %dma_wait3A_557 = tpu.memref_slice %arg4[%mul3A_315] : memref<106496xf32, #tpu.memory_space<hbm>> -> memref<128xf32, #tpu.memory_space<hbm>>
    %dma_wait3A_558 = tpu.memref_slice %arg4[%mul3A_315] : memref<106496xf32, #tpu.memory_space<hbm>> -> memref<128xf32, #tpu.memory_space<hbm>>
    %dma_wait3A_559 = arith.constant 0 : i32
    %dma_wait3A_560 = tpu.memref_slice %arg6[%dma_wait3A_553, %dma_wait3A_559] : memref<26x128xf32, #tpu.memory_space<vmem>> -> memref<1x128xf32, #tpu.memory_space<vmem>>
    %dma_wait3A_561 = tpu.memref_squeeze %dma_wait3A_560 : memref<1x128xf32, #tpu.memory_space<vmem>> -> memref<128xf32, #tpu.memory_space<vmem>>
    tpu.wait_dma2 semaphore(%arg8 : memref<!tpu.dma_semaphore, #tpu.memory_space<semaphore_mem>>) src(%dma_wait3A_561 : memref<128xf32, #tpu.memory_space<vmem>>) dst(%dma_wait3A_558 : memref<128xf32, #tpu.memory_space<hbm>>)
    %dma_wait3A_562 = arith.constant 25 : i32
    %dma_wait3A_563 = arith.constant 0 : i32
    %dma_wait3A_564 = tpu.memref_slice %arg6[%dma_wait3A_562, %dma_wait3A_563] : memref<26x128xf32, #tpu.memory_space<vmem>> -> memref<1x128xf32, #tpu.memory_space<vmem>>
    %dma_wait3A_565 = tpu.memref_squeeze %dma_wait3A_564 : memref<1x128xf32, #tpu.memory_space<vmem>> -> memref<128xf32, #tpu.memory_space<vmem>>
    %dma_wait3A_566 = tpu.memref_slice %arg4[%mul3A_328] : memref<106496xf32, #tpu.memory_space<hbm>> -> memref<128xf32, #tpu.memory_space<hbm>>
    %dma_wait3A_567 = tpu.memref_slice %arg4[%mul3A_328] : memref<106496xf32, #tpu.memory_space<hbm>> -> memref<128xf32, #tpu.memory_space<hbm>>
    %dma_wait3A_568 = arith.constant 0 : i32
    %dma_wait3A_569 = tpu.memref_slice %arg6[%dma_wait3A_562, %dma_wait3A_568] : memref<26x128xf32, #tpu.memory_space<vmem>> -> memref<1x128xf32, #tpu.memory_space<vmem>>
    %dma_wait3A_570 = tpu.memref_squeeze %dma_wait3A_569 : memref<1x128xf32, #tpu.memory_space<vmem>> -> memref<128xf32, #tpu.memory_space<vmem>>
    tpu.wait_dma2 semaphore(%arg8 : memref<!tpu.dma_semaphore, #tpu.memory_space<semaphore_mem>>) src(%dma_wait3A_570 : memref<128xf32, #tpu.memory_space<vmem>>) dst(%dma_wait3A_567 : memref<128xf32, #tpu.memory_space<hbm>>)
    return
  }
}

module attributes {stable_mosaic.version = 14 : i64} {
  func.func @body(%arg0: i32, %arg1: memref<1xf32, #tpu.memory_space<smem>>, %arg2: memref<2x64x4096xf32, #tpu.memory_space<vmem>>, %arg3: memref<2x1x4096xf32, #tpu.memory_space<vmem>>, %arg4: memref<2x1x4096xi32, #tpu.memory_space<vmem>>, %arg5: memref<64x1xf32, #tpu.memory_space<vmem>>, %arg6: memref<2x64x4096xf32, #tpu.memory_space<vmem>>, %arg7: memref<1x4096xf32, #tpu.memory_space<vmem>>) attributes {dimension_semantics = [#tpu.dimension_semantics<arbitrary>], iteration_bounds = array<i64: 13>, scalar_prefetch = 0 : i64, scratch_operands = 1 : i64, tpu.core_type = #tpu.core_type<tc>, window_params = [{transform_indices = @transform_0, window_bounds = array<i64: 1>}, {transform_indices = @transform_1, window_bounds = array<i64: 2, 64, 4096>}, {transform_indices = @transform_2, window_bounds = array<i64: 2, 1, 4096>}, {pipeline_mode = #tpu.pipeline_mode<synchronous>, transform_indices = @transform_3, window_bounds = array<i64: 2, 1, 4096>}, {pipeline_mode = #tpu.pipeline_mode<synchronous>, transform_indices = @transform_4, window_bounds = array<i64: 64, 1>}, {transform_indices = @transform_5, window_bounds = array<i64: 2, 64, 4096>}]} {
    %eq3A = arith.constant 12 : i32
    %eq3A_0 = arith.cmpi eq, %arg0, %eq3A : i32
    %convert_element_type3A = arith.extui %eq3A_0 : i1 to i32
    %cond3A = arith.constant 0 : i32
    %cond3A_1 = arith.cmpi ne, %convert_element_type3A, %cond3A : i32
    scf.if %cond3A_1 {
      %get3A_41 = arith.constant 1 : index
      %get3A_42 = arith.constant 0 : index
      %get3A_43 = arith.constant 0 : index
      %get3A_44 = vector.load %arg4[%get3A_41, %get3A_42, %get3A_43] : memref<2x1x4096xi32, #tpu.memory_space<vmem>>, vector<1x1x4096xi32>
      %get3A_45 = vector.shape_cast %get3A_44 : vector<1x1x4096xi32> to vector<1x4096xi32>
      %iota3A = tpu.iota {dimensions = array<i32: 0>} : vector<64x4096xi32>
      %sub3A = arith.constant 2599936 : i32
      %sub3A_46 = vector.broadcast %sub3A : i32 to vector<1x4096xi32>
      %sub3A_47 = arith.subi %get3A_45, %sub3A_46 : vector<1x4096xi32>
      %eq3A_48 = vector.broadcast %sub3A_47 : vector<1x4096xi32> to vector<64x4096xi32>
      %eq3A_49 = arith.cmpi eq, %eq3A_48, %iota3A : vector<64x4096xi32>
      %get3A_50 = arith.constant 0 : index
      %get3A_51 = arith.constant 0 : index
      %get3A_52 = vector.load %arg5[%get3A_50, %get3A_51] : memref<64x1xf32, #tpu.memory_space<vmem>>, vector<64x1xf32>
      %jit3A = arith.constant 0.000000e+00 : f32
      %broadcast_in_dim3A_53 = vector.shape_cast %get3A_52 : vector<64x1xf32> to vector<64x1xf32>
      %broadcast_in_dim3A_54 = vector.broadcast %broadcast_in_dim3A_53 : vector<64x1xf32> to vector<64x4096xf32>
      %broadcast_in_dim3A_55 = vector.broadcast %jit3A : f32 to vector<64x4096xf32>
      %select_n3A_56 = arith.select %eq3A_49, %broadcast_in_dim3A_54, %broadcast_in_dim3A_55 : vector<64x4096xi1>, vector<64x4096xf32>
      %reduce_sum3A = arith.constant dense<0.000000e+00> : vector<4096xf32>
      %reduce_sum3A_57 = vector.multi_reduction <add>, %select_n3A_56, %reduce_sum3A [0] : vector<64x4096xf32> to vector<4096xf32>
      %broadcast_in_dim3A_58 = vector.shape_cast %reduce_sum3A_57 : vector<4096xf32> to vector<1x4096xf32>
      %swap3A_59 = arith.constant 0 : index
      %swap3A_60 = arith.constant 0 : index
      %swap3A_61 = vector.load %arg7[%swap3A_59, %swap3A_60] : memref<1x4096xf32, #tpu.memory_space<vmem>>, vector<1x4096xf32>
      tpu.vector_store %arg7[%swap3A_59, %swap3A_60], %broadcast_in_dim3A_58 {strides = array<i32>} : memref<1x4096xf32, #tpu.memory_space<vmem>>, vector<1x4096xf32>,
    } else {
    }
    %get3A = arith.constant 0 : index
    %get3A_2 = memref.load %arg1[%get3A] : memref<1xf32, #tpu.memory_space<smem>>
    %get3A_3 = arith.constant 0 : index
    %get3A_4 = arith.constant 0 : index
    %get3A_5 = arith.constant 0 : index
    %get3A_6 = vector.load %arg4[%get3A_3, %get3A_4, %get3A_5] : memref<2x1x4096xi32, #tpu.memory_space<vmem>>, vector<2x1x4096xi32>
    %ge3A = arith.constant 2599936 : i32
    %ge3A_7 = vector.broadcast %ge3A : i32 to vector<2x1x4096xi32>
    %ge3A_8 = arith.cmpi sge, %get3A_6, %ge3A_7 : vector<2x1x4096xi32>
    %eq3A_9 = arith.constant 12 : i32
    %eq3A_10 = arith.cmpi eq, %arg0, %eq3A_9 : i32
    %and3A = vector.broadcast %eq3A_10 : i1 to vector<2x1x4096xi1>
    %and3A_11 = arith.andi %ge3A_8, %and3A : vector<2x1x4096xi1>
    %get3A_12 = arith.constant 0 : index
    %get3A_13 = arith.constant 0 : index
    %get3A_14 = vector.load %arg7[%get3A_12, %get3A_13] : memref<1x4096xf32, #tpu.memory_space<vmem>>, vector<1x4096xf32>
    %broadcast_in_dim3A = vector.shape_cast %get3A_14 : vector<1x4096xf32> to vector<1x1x4096xf32>
    %get3A_15 = arith.constant 0 : index
    %get3A_16 = arith.constant 0 : index
    %get3A_17 = arith.constant 0 : index
    %get3A_18 = vector.load %arg3[%get3A_15, %get3A_16, %get3A_17] : memref<2x1x4096xf32, #tpu.memory_space<vmem>>, vector<2x1x4096xf32>
    %broadcast_in_dim3A_19 = vector.shape_cast %broadcast_in_dim3A : vector<1x1x4096xf32> to vector<1x1x4096xf32>
    %broadcast_in_dim3A_20 = vector.broadcast %broadcast_in_dim3A_19 : vector<1x1x4096xf32> to vector<2x1x4096xf32>
    %select_n3A = arith.select %and3A_11, %broadcast_in_dim3A_20, %get3A_18 : vector<2x1x4096xi1>, vector<2x1x4096xf32>
    %neg3A = arith.constant 0.000000e+00 : f32
    %neg3A_21 = vector.broadcast %neg3A : f32 to vector<2x1x4096xf32>
    %neg3A_22 = arith.subf %neg3A_21, %select_n3A : vector<2x1x4096xf32>
    %exp3A = math.exp %neg3A_22 : vector<2x1x4096xf32>
    %add3A = arith.constant 1.000000e+00 : f32
    %add3A_23 = vector.broadcast %add3A : f32 to vector<2x1x4096xf32>
    %add3A_24 = arith.addf %add3A_23, %exp3A : vector<2x1x4096xf32>
    %neg3A_25 = arith.constant 0.000000e+00 : f32
    %neg3A_26 = arith.subf %neg3A_25, %get3A_2 : f32
    %mul3A = vector.broadcast %neg3A_26 : f32 to vector<2x1x4096xf32>
    %mul3A_27 = arith.mulf %mul3A, %select_n3A : vector<2x1x4096xf32>
    %exp3A_28 = math.exp %mul3A_27 : vector<2x1x4096xf32>
    %add3A_29 = arith.constant 1.000000e+00 : f32
    %add3A_30 = vector.broadcast %add3A_29 : f32 to vector<2x1x4096xf32>
    %add3A_31 = arith.addf %add3A_30, %exp3A_28 : vector<2x1x4096xf32>
    %div3A = arith.divf %add3A_24, %add3A_31 : vector<2x1x4096xf32>
    %get3A_32 = arith.constant 0 : index
    %get3A_33 = arith.constant 0 : index
    %get3A_34 = arith.constant 0 : index
    %get3A_35 = vector.load %arg2[%get3A_32, %get3A_33, %get3A_34] : memref<2x64x4096xf32, #tpu.memory_space<vmem>>, vector<2x64x4096xf32>
    %mul3A_36 = vector.broadcast %div3A : vector<2x1x4096xf32> to vector<2x64x4096xf32>
    %mul3A_37 = arith.mulf %get3A_35, %mul3A_36 : vector<2x64x4096xf32>
    %swap3A = arith.constant 0 : index
    %swap3A_38 = arith.constant 0 : index
    %swap3A_39 = arith.constant 0 : index
    %swap3A_40 = vector.load %arg6[%swap3A, %swap3A_38, %swap3A_39] : memref<2x64x4096xf32, #tpu.memory_space<vmem>>, vector<2x64x4096xf32>
    tpu.vector_store %arg6[%swap3A, %swap3A_38, %swap3A_39], %mul3A_37 {strides = array<i32>} : memref<2x64x4096xf32, #tpu.memory_space<vmem>>, vector<2x64x4096xf32>,
    return
  }
  func.func @transform_0(%arg0: i32) -> i32 {
    %c0_i32 = arith.constant 0 : i32
    %c0_i32_0 = arith.constant 0 : i32
    return %c0_i32 : i32
  }
  func.func @transform_1(%arg0: i32) -> (i32, i32, i32) {
    %c0_i32 = arith.constant 0 : i32
    %c0_i32_0 = arith.constant 0 : i32
    %c0_i32_1 = arith.constant 0 : i32
    return %arg0, %c0_i32, %c0_i32_0 : i32, i32, i32
  }
  func.func @transform_2(%arg0: i32) -> (i32, i32, i32) {
    %c0_i32 = arith.constant 0 : i32
    %c0_i32_0 = arith.constant 0 : i32
    %c0_i32_1 = arith.constant 0 : i32
    return %arg0, %c0_i32, %c0_i32_0 : i32, i32, i32
  }
  func.func @transform_3(%arg0: i32) -> (i32, i32, i32) {
    %c0_i32 = arith.constant 0 : i32
    %c0_i32_0 = arith.constant 0 : i32
    %c0_i32_1 = arith.constant 0 : i32
    %c0_i32_2 = arith.constant 0 : i32
    return %c0_i32, %c0_i32_0, %c0_i32_1 : i32, i32, i32
  }
  func.func @transform_4(%arg0: i32) -> (i32, i32) {
    %c0_i32 = arith.constant 0 : i32
    %c0_i32_0 = arith.constant 0 : i32
    %c0_i32_1 = arith.constant 0 : i32
    return %c0_i32, %c0_i32_0 : i32, i32
  }
  func.func @transform_5(%arg0: i32) -> (i32, i32, i32) {
    %c0_i32 = arith.constant 0 : i32
    %c0_i32_0 = arith.constant 0 : i32
    %c0_i32_1 = arith.constant 0 : i32
    return %arg0, %c0_i32, %c0_i32_0 : i32, i32, i32
  }
}

</mosaic_0001>

<sc_bundles>
// kernel: kernel.4.cloned.1.call-start
scs
__scs_entry_jumppad:
0x0: {  	(pc) =	sbr.rel $0x88, $3  }
0x1: {  	(tag) =	ssettag $0x0;
	lr =	simm.s32 $0x1  }
0x2: {  	[smem:$0x3F9D] =	sst lr;
	_ =	strace $0xD0000000  }
0x3: {  	_ = 	snop  }
0x4: {  	_ = 	snop  }
0x5: {  	_ = 	snop  }
0x6: {  	_ = 	snop  }
0x7: {  	_ = 	snop  }
__scs_overlays_trampoline_lowered:
0x8: {  	[smem:$0x3FAC] =	sst s0  }
0x9: {  	[smem:$0x3FAD] =	sst s1  }
0xa: {  	[smem:$0x3FAE] =	sst s2  }
0xb: {  	[smem:$0x3FAF] =	sst s3  }
0xc: {  	[smem:$0x3FB0] =	sst s4  }
0xd: {  	[smem:$0x3FB1] =	sst s5  }
0xe: {  	[smem:$0x3FB2] =	sst s6  }
0xf: {  	[smem:$0x3FB3] =	sst s7  }
0x10: {  	[smem:$0x3FB4] =	sst s8  }
0x11: {  	[smem:$0x3FB5] =	sst s9;
	s0 =	simm.s32 @!p0 $0x0  }
0x12: {  	s1 =	sld [smem:$0x3F9B];
	s0 =	simm.s32 @p0 $0x1  }
0x13: {  	[smem:$0x3FB6] =	sst s0;
	s0 =	simm.s32 @!p1 $0x0  }
0x14: {  	s2 =	sld [smem:$0x3F9A];
	s0 =	simm.s32 @p1 $0x1  }
0x15: {  	[smem:$0x3FB7] =	sst s0;
	s0 =	simm.s32 @!p2 $0x0  }
0x16: {  	s3 =	sld [smem:$0x3FDB];
	s0 =	simm.s32 @p2 $0x1  }
0x17: {  	s4 =	simm.s32 $0x1BF5;
	[smem:$0x3FB9] =	sst s0  }
0x18: {  	s0 =	sld [smem:$0x3F9C];
	_ =	swait.ge [sflag:s4], $0x0  }
0x19: {  	s7 =	sld [smem:$0x3F9D]  }
0x1a: {  	s8 =	sadd.s32 $0xFFFFE003, lr  }
0x1b: {  	s9 =	sadd.s32 $0xFFFFFEF7, lr;
	s5 =	simm.s32 $0xFFFFFFFF;
	p2 =	slt.u32 s8, $0xFFFFF086  }
0x1c: {  	p1 =	slt.u32 s9, $0xF7A;
	s5 =	simm.s32 @!p2 $0x0  }
0x1d: {  	s5 =	simm.s32 @p1 $0x1;
	p0 =	seq.s32 s7, s2  }
0x1e: {  	s7 =	smul.u32 @!p0 $0xF7A, s2;
	p2 =	seq.s32 @!p0 s5, $0x0  }
0x1f: {  	s9 =	smul.u32 $0xF7A, s1;
	s8 =	simm.s32 @!p0 $0x1BF5;
	p2 =	por !p2, p0  }
0x20: {  	[sflag:s8] =	ssyncset.s32 @!p0 $0xFFFFF086;
	s6 =	sadd.s32 @!p0 s3, s7;
	s7 =	simm.s32 @!p0 $0x108  }
0x21: {  	s3 =	sadd.s32 s3, s9;
	s6 =	sadd.s32 @!p0 $0x88, s6;
	s7 =	simm.s32 @p2 $0x1082  }
0x22: {  	[simem:s7], [sflag:s8] =	dma.local @!p0 [hbm:s6], $0xF7A  }
0x23: {  	s9 =	sor.u32 $0xD0000000, s2;
	s6 =	simm.s32 $0x108;
	_ =	swait.ge @!p0 [sflag:s8], $0x0  }
0x24: {  	s3 =	sadd.s32 $0x88, s3;
	s6 =	simm.s32 @!p1 $0x1082;
	[sflag:s4] =	ssyncset.s32 $0xFFFFF086  }
0x25: {  	[simem:s6], [sflag:s4] =	dma.local [hbm:s3], $0xF7A  }
0x26: {  	[smem:$0x3F9D] =	sst s1;
	(tag) =	ssettag s2;
	_ =	strace s9  }
0x27: {  	s1 =	sld [smem:$0x3FAD]  }
0x28: {  	s2 =	sld [smem:$0x3FAE]  }
0x29: {  	s4 =	sld [smem:$0x3FB0]  }
0x2a: {  	p0 =	seq.s32 s5, $0x0;
	s5 =	sld [smem:$0x3FB1]  }
0x2b: {  	s6 =	sld [smem:$0x3FB2]  }
0x2c: {  	s7 =	sld [smem:$0x3FB3]  }
0x2d: {  	s3 =	simm.s32 $0x108;
	s8 =	sld [smem:$0x3FB4]  }
0x2e: {  	s3 =	simm.s32 @!p0 $0x1082;
	s9 =	sld [smem:$0x3FB5]  }
0x2f: {  	lr =	sadd.s32 s0, s3;
	s0 =	sld [smem:$0x3FAC]  }
0x30: {  	s3 =	sld [smem:$0x3FAF]  }
0x31: {  	[smem:$0x3FB8] =	sst s10  }
0x32: {  	s10 =	sld [smem:$0x3FB6];
	_ =	sdelay $0x3  }
0x33: {  	p0 =	seq.s32 s10, $0x1;
	s10 =	sld [smem:$0x3FB8];
	_ =	sdelay $0x3  }
0x34: {  	[smem:$0x3FB8] =	sst s10  }
0x35: {  	s10 =	sld [smem:$0x3FB7];
	_ =	sdelay $0x3  }
0x36: {  	p1 =	seq.s32 s10, $0x1;
	s10 =	sld [smem:$0x3FB8];
	_ =	sdelay $0x3  }
0x37: {  	[smem:$0x3FB8] =	sst s10  }
0x38: {  	s10 =	sld [smem:$0x3FB9]  }
0x39: {  	_ = 	snop;
	(pc) =	sbr.ind lr, $3  }
0x3a: {  	_ = 	snop  }
0x3b: {  	_ = 	snop  }
0x3c: {  	p2 =	seq.s32 s10, $0x1;
	s10 =	sld [smem:$0x3FB8]  }
0x3d: {  	_ =	shalt  }
0x3e: {  	_ =	shalt  }
0x3f: {  	_ =	shalt  }
0x40: {  	_ =	shalt  }
0x41: {  	_ =	shalt  }
0x42: {  	_ =	shalt  }
0x43: {  	_ =	shalt  }
0x44: {  	_ =	shalt  }
0x45: {  	_ =	shalt  }
0x46: {  	_ =	shalt  }
0x47: {  	_ =	shalt  }
0x48: {  	_ =	shalt  }
0x49: {  	_ =	shalt  }
0x4a: {  	_ =	shalt  }
0x4b: {  	_ =	shalt  }
0x4c: {  	_ =	shalt  }
0x4d: {  	_ =	shalt  }
0x4e: {  	_ =	shalt  }
0x4f: {  	_ =	shalt  }
0x50: {  	_ =	shalt  }
0x51: {  	_ =	shalt  }
0x52: {  	_ =	shalt  }
0x53: {  	_ =	shalt  }
0x54: {  	_ =	shalt  }
0x55: {  	_ =	shalt  }
0x56: {  	_ =	shalt  }
0x57: {  	_ =	shalt  }
0x58: {  	_ =	shalt  }
0x59: {  	_ =	shalt  }
0x5a: {  	_ =	shalt  }
0x5b: {  	_ =	shalt  }
0x5c: {  	_ =	shalt  }
0x5d: {  	_ =	shalt  }
0x5e: {  	_ =	shalt  }
0x5f: {  	_ =	shalt  }
0x60: {  	_ =	shalt  }
0x61: {  	_ =	shalt  }
0x62: {  	_ =	shalt  }
0x63: {  	_ =	shalt  }
0x64: {  	_ =	shalt  }
0x65: {  	_ =	shalt  }
0x66: {  	_ =	shalt  }
0x67: {  	_ =	shalt  }
0x68: {  	_ =	shalt  }
0x69: {  	_ =	shalt  }
0x6a: {  	_ =	shalt  }
0x6b: {  	_ =	shalt  }
0x6c: {  	_ =	shalt  }
0x6d: {  	_ =	shalt  }
0x6e: {  	_ =	shalt  }
0x6f: {  	_ =	shalt  }
0x70: {  	_ =	shalt  }
0x71: {  	_ =	shalt  }
0x72: {  	_ =	shalt  }
0x73: {  	_ =	shalt  }
0x74: {  	_ =	shalt  }
0x75: {  	_ =	shalt  }
0x76: {  	_ =	shalt  }
0x77: {  	_ =	shalt  }
0x78: {  	_ =	shalt  }
0x79: {  	_ =	shalt  }
0x7a: {  	_ =	shalt  }
0x7b: {  	_ =	shalt  }
0x7c: {  	_ =	shalt  }
0x7d: {  	_ =	shalt  }
0x7e: {  	_ =	shalt  }
0x7f: {  	_ =	shalt  }
0x80: {  	_ =	shalt  }
0x81: {  	_ =	shalt  }
0x82: {  	_ =	shalt  }
0x83: {  	_ =	shalt  }
0x84: {  	_ =	shalt  }
0x85: {  	_ =	shalt  }
0x86: {  	_ =	shalt  }
0x87: {  	_ =	shalt  }
.Lfunc_end0:
.L_simem_size_0:
called_computation_lowered:
.L_overlay_start_0:
0x88: {  	s2 =	sld [smem:$0x3FD9]  }
0x89: {  	s3 =	sld [smem:$0x3FFE];
	_ =	sdelay $0x1  }
0x8a: {  	s1 =	srdreg.scid  }
0x8b: {  	s0 =	sand.u32 $0x1, s1  }
0x8c: {  	s16 =	sshll.u32 s0, $0xA;
	s2 =	sadd.s32 s3, s2  }
0x8d: {  	s2 =	sadd.s32 s2, s16  }
0x8e: {  	[smem:$0x3FC4] =	sst s2  }
0x8f: {  	_ = 	snop  }
0x90: {  	(tm) =	ssettm $0x1  }
0x91: {  	s17 =	sld [smem:$0x3FFB];
	_ =	sdelay $0x3  }
0x92: {  	_ =	strace s17  }
0x93: {  	s2 =	sld [smem:$0x3FFC];
	_ =	sdelay $0x3  }
0x94: {  	_ =	strace s2  }
0x95: {  	s2 =	sld [smem:$0x3FFD];
	_ =	sdelay $0x3  }
0x96: {  	_ =	strace s2  }
0x97: {  	_ =	strace $0x8FFFFFFF  }
0x98: {  	s18 =	sld [smem:$0x3FDB];
	_ =	sdelay $0x1  }
0x99: {  	s19 =	simm.s32 $_scs_section_size  }
0x9a: {  	s4 =	simm.s32 $_size__tile_overlayer_lowered;
	s5 =	simm.s32 $_tile_overlayer_lowered  }
0x9b: {  	s22 =	simm.s32 $0x1BFF;
	s21 =	sshll.u32 s5, $0x1;
	s2 =	sadd.s32 s19, s18  }
0x9c: {  	s6 =	simm.s32 $0x0;
	s20 =	sshll.u32 s4, $0x1;
	s4 =	sadd.s32 s21, s2  }
0x9d: {  	[timem:s6], [sflag:s22] =	dma.local [hbm:s4], s20  }
0x9e: {  	_ =	swait.ge [sflag:s22], s20  }
0x9f: {  	s3 =	ssub.s32 $0x0, s20;
	[sflag:s22] =	ssyncset.done $0x0  }
0xa0: {  	[sflag:s22] =	ssyncadd.s32 s3;
	_ =	sdelay $0x1  }
0xa1: {  	s23 =	simm.s32 $0x1B8B  }
0xa2: {  	_ =	swait.ge [sflag:s23], $0x1  }
0xa3: {  	[sflag:s23] =	ssyncset.done $0x0  }
0xa4: {  	s25 =	simm.s32 $0x1B8E;
	s24 =	sld [smem:$0x3FFE];
	[sflag:s23] =	ssyncadd.s32 $0xFFFFFFFF  }
0xa5: {  	s26 =	simm.s32 $execute0_lowered;
	[smem:$0x3FD2] =	sst s25  }
0xa6: {  	s4 =	sshll.u32 s26, $0x1;
	_ =	strace $0x80000046;
	[dreg:$0x1] =	wrdreg $0xFFFFFFFF  }
0xa7: {  	s28 =	simm.s32 $_size_execute0_lowered;
	s2 =	sadd.s32 s2, s4;
	[dreg:$0x0] =	wrdreg $0x0  }
0xa8: {  	s4 =	sshll.u32 s28, $0x1;
	[dreg:$0x2] =	wrdreg s2  }
0xa9: {  	[dreg:$0x3] =	wrdreg s4  }
0xaa: {  	[dreg:$0x4] =	wrdreg $0xC0  }
0xab: {  	_ =	task [dreg:s6], $0x5FFFF  }
0xac: {  	[dreg:$0x1] =	wrdreg $0xFFFFFFFF  }
0xad: {  	[dreg:$0x0] =	wrdreg $0x60  }
0xae: {  	[dreg:$0x2] =	wrdreg s24  }
0xaf: {  	[dreg:$0x3] =	wrdreg $0x9  }
0xb0: {  	_ =	task.clear_ibuf [dreg:s6], $0x4FFFF;
	_ =	strace $0x90000046  }
0xb1: {  	s29 =	simm.s32 $0x9;
	_ =	strace $0x80000048  }
0xb2: {  	_ =	swait.ge [sflag:s29], $0x1  }
0xb3: {  	[sflag:s29] =	ssyncadd.s32 $0xFFFFFFFF  }
0xb4: {  	_ =	strace $0x90000048  }
0xb5: {  	_ =	sfence  }
0xb6: {  	s30 =	sld [smem:$0x0];
	_ =	sdelay $0x2  }
0xb7: {  	s31 =	sshll.u32 s1, $0xD;
	s1 =	sshrl.u32 s1, $0x2  }
0xb8: {  	s3 =	sand.u32 $0x4000, s31;
	s1 =	sadd.s32 s1, s30  }
0xb9: {  	s0 =	sor.u32 s3, s0;
	s1 =	sshll.u32 s1, $0x11  }
0xba: {  	s0 =	sor.u32 s1, s0  }
0xbb: {  	s0 =	sadd.s32 $0x8F2B, s0  }
0xbc: {  	[sflag:s0] =	ssyncadd.remote.s32 $0x1  }
0xbd: {  	_ =	sfence.sel $0xFFFF  }
0xbe: {  	[dreg:$0x0] =	wrdreg $0xFFFFFFFF;
	(pc) =	sbr.abs _section_cstart, $3  }
0xbf: {  	[dreg:$0x1] =	wrdreg $0xFFFFFFFF  }
0xc0: {  	_ =	task.clear_ibuf [dreg:s6], $0x2FFFF;
	_ =	strace $0x9FFFFFFF  }
0xc1: {  	(tm) =	ssettm $0x7FFFFFFF  }
tec
execute0_lowered:
.L_overlay_start_1:
0x0: {  	(tag) =	ssettag $0x1  }
0x1: {  	s0 =	srdreg.scid;
	s1 =	stileid.u32  }
0x2: {  	s0 =	sand.u32 $0x1, s0;
	s1 =	sshll.u32 s1, $0x1  }
0x3: {  	s1 =	sor.u32 s0, s1  }
0x4: {  	s3 =	rddreg [dreg:$0x0];
	s4 =	sshll.u32 s1, $0x9  }
0x5: {  	s2 =	simm.s32 $0x0;
	s1 =	sshll.u32 s1, $0x4;
	s4 =	sadd.s32 s4, s3  }
0x6: {  	[smem:$0x7FF] =	sst s2;
	s1 =	sadd.s32 s1, s3;
	s23 =	sadd.s32 $0xA00, s4  }
0x7: {  	_ =	strace $0x80000047;
	s24 =	sadd.s32 $0x4A00, s1;
	[dreg:$0x2] =	wrdreg s23  }
0x8: {  	s25 =	sadd.s32 $0x4C00, s1;
	[dreg:$0x3] =	wrdreg s24  }
0x9: {  	s26 =	sadd.s32 $0x4E00, s1;
	[dreg:$0x4] =	wrdreg s25  }
0xa: {  	s4 =	sadd.s32 $0x5000, s1;
	[dreg:$0x5] =	wrdreg s26  }
0xb: {  	s5 =	sadd.s32 $0x5200, s1;
	[dreg:$0x6] =	wrdreg s4  }
0xc: {  	s6 =	sadd.s32 $0x5400, s1;
	[dreg:$0x7] =	wrdreg s5  }
0xd: {  	s7 =	sadd.s32 $0x5600, s1;
	[dreg:$0x8] =	wrdreg s6  }
0xe: {  	s8 =	sadd.s32 $0x5800, s1;
	[dreg:$0x9] =	wrdreg s7  }
0xf: {  	s9 =	sadd.s32 $0x5A00, s1;
	[dreg:$0xa] =	wrdreg s8  }
0x10: {  	s10 =	sadd.s32 $0x5C00, s1;
	[dreg:$0xb] =	wrdreg s9  }
0x11: {  	s11 =	sadd.s32 $0x5E00, s1;
	[dreg:$0xc] =	wrdreg s10  }
0x12: {  	s12 =	sadd.s32 $0x6000, s1;
	[dreg:$0xd] =	wrdreg s11  }
0x13: {  	s13 =	sadd.s32 $0x6200, s1;
	[dreg:$0xe] =	wrdreg s12  }
0x14: {  	s14 =	sadd.s32 $0x6400, s1;
	[dreg:$0xf] =	wrdreg s13  }
0x15: {  	s15 =	sadd.s32 $0x6600, s1;
	[dreg:$0x10] =	wrdreg s14  }
0x16: {  	s31 =	simm.s32 $0x2;
	s16 =	sadd.s32 $0x6800, s1;
	[dreg:$0x11] =	wrdreg s15  }
0x17: {  	s30 =	simm.s32 $0x1000;
	s17 =	sadd.s32 $0x6A00, s1;
	[dreg:$0x12] =	wrdreg s16  }
0x18: {  	s29 =	simm.s32 $0x1080;
	s18 =	sadd.s32 $0x6C00, s1;
	[dreg:$0x13] =	wrdreg s17  }
0x19: {  	s28 =	simm.s32 $0x1100;
	s19 =	sadd.s32 $0x6E00, s1;
	[dreg:$0x14] =	wrdreg s18  }
0x1a: {  	p0 =	por $0x0, $0x0;
	s20 =	sadd.s32 $0x7000, s1;
	[dreg:$0x15] =	wrdreg s19  }
0x1b: {  	s0 =	ssub.s32 $0x2, s0;
	s21 =	sadd.s32 $0x7200, s1;
	[dreg:$0x16] =	wrdreg s20  }
0x1c: {  	s3 =	simm.s32 $0x1;
	s22 =	sadd.s32 $0x7400, s1;
	[dreg:$0x17] =	wrdreg s21  }
0x1d: {  	[dreg:$0x18] =	wrdreg s22;
	s23 =	sadd.s32 $0x7600, s1;
	s24 =	sadd.s32 $0x7800, s1  }
0x1e: {  	s25 =	sadd.s32 $0x7A00, s1;
	s26 =	sshrl.u32 s0, $0x1;
	s1 =	sadd.s32 $0x7C00, s1  }
0x1f: {  	s22 =	simm.s32 $0x1380;
	s21 =	simm.s32 $0x1400;
	s20 =	simm.s32 $0x1480  }
0x20: {  	s19 =	simm.s32 $0x1500;
	s18 =	simm.s32 $0x1580;
	s17 =	simm.s32 $0x1600  }
0x21: {  	s16 =	simm.s32 $0x1680;
	s15 =	simm.s32 $0x1700;
	s14 =	simm.s32 $0x1780  }
0x22: {  	s13 =	simm.s32 $0x1800;
	s12 =	simm.s32 $0x1880;
	s0 =	ssub.s32 s0, s26  }
0x23: {  	s10 =	simm.s32 $0x1900;
	s8 =	simm.s32 $0x1980;
	s0 =	smax.u32 s0, $0x1  }
0x24: {  	s6 =	simm.s32 $0x1A00;
	[dreg:$0x19] =	wrdreg s23;
	p1 =	sne.s32 s0, $0x1  }
.Ltmp0:
0x25: {  	s11 =	simm.s32 $0x1A80;
	[dreg:$0x1a] =	wrdreg s24;
	(pc) =	sbr.rel @!p1 .LBB2_5-.Ltmp0, $4  }
0x26: {  	s9 =	simm.s32 $0x1B00;
	s7 =	simm.s32 $0x1B80;
	[dreg:$0x1b] =	wrdreg s25  }
0x27: {  	s4 =	simm.s32 $0x1C00;
	s5 =	simm.s32 $0x1C80;
	[dreg:$0x1c] =	wrdreg s1  }
0x28: {  	s26 =	simm.s32 $0x1180;
	s25 =	simm.s32 $0x1200;
	s24 =	simm.s32 $0x1280  }
0x29: {  	s23 =	simm.s32 $0x1300;
	s1 =	sadd.s32 $0xFFFFFFFF, s0;
	s0 =	rddreg [dreg:$0x2]  }
0x2a: {  	[tilespmem:s2], [sflag:$0x2] =	stream.linear.gather [hbm4b:s0+s2], $0xD00, $0x38;
	[tilespmem:$0x2000] =	vst v63  }
0x2b: {  	_ =	swait.ge [sflag:s31], $0xD00  }
0x2c: {  	[dreg:$0x1d] =	wrdreg s1;
	[sflag:s31] =	ssyncset.done $0x0  }
0x2d: {  	s0 =	rddreg [dreg:$0x3];
	[sflag:s31] =	ssyncadd.s32 $0xFFFFF300  }
0x2e: {  	[hbm4b:s0+s2] =	stream.linear.scatter [tilespmem:s30], [sflag:$0x1], $0x80, $0x38;
	[tilespmem:$0x2000] =	vst v63  }
0x2f: {  	s1 =	rddreg [dreg:$0x4]  }
0x30: {  	[hbm4b:s1+s2] =	stream.linear.scatter [tilespmem:s29], [sflag:$0x1], $0x80, $0x38;
	[tilespmem:$0x2000] =	vst v63  }
0x31: {  	s0 =	rddreg [dreg:$0x5]  }
0x32: {  	[hbm4b:s0+s2] =	stream.linear.scatter [tilespmem:s28], [sflag:$0x1], $0x80, $0x38;
	[tilespmem:$0x2000] =	vst v63  }
0x33: {  	s1 =	rddreg [dreg:$0x6]  }
0x34: {  	[hbm4b:s1+s2] =	stream.linear.scatter [tilespmem:s26], [sflag:$0x1], $0x80, $0x38;
	[tilespmem:$0x2000] =	vst v63  }
0x35: {  	s0 =	rddreg [dreg:$0x7]  }
0x36: {  	[hbm4b:s0+s2] =	stream.linear.scatter [tilespmem:s25], [sflag:$0x1], $0x80, $0x38;
	[tilespmem:$0x2000] =	vst v63  }
0x37: {  	s1 =	rddreg [dreg:$0x8]  }
0x38: {  	[hbm4b:s1+s2] =	stream.linear.scatter [tilespmem:s24], [sflag:$0x1], $0x80, $0x38;
	[tilespmem:$0x2000] =	vst v63  }
0x39: {  	s26 =	rddreg [dreg:$0x9]  }
0x3a: {  	[hbm4b:s26+s2] =	stream.linear.scatter [tilespmem:s23], [sflag:$0x1], $0x80, $0x38;
	[tilespmem:$0x2000] =	vst v63  }
0x3b: {  	s24 =	rddreg [dreg:$0xa]  }
0x3c: {  	[hbm4b:s24+s2] =	stream.linear.scatter [tilespmem:s22], [sflag:$0x1], $0x80, $0x38;
	[tilespmem:$0x2000] =	vst v63  }
0x3d: {  	s25 =	rddreg [dreg:$0xb]  }
0x3e: {  	[hbm4b:s25+s2] =	stream.linear.scatter [tilespmem:s21], [sflag:$0x1], $0x80, $0x38;
	[tilespmem:$0x2000] =	vst v63  }
0x3f: {  	s26 =	rddreg [dreg:$0xc]  }
0x40: {  	[hbm4b:s26+s2] =	stream.linear.scatter [tilespmem:s20], [sflag:$0x1], $0x80, $0x38;
	[tilespmem:$0x2000] =	vst v63  }
0x41: {  	s21 =	rddreg [dreg:$0xd]  }
0x42: {  	[hbm4b:s21+s2] =	stream.linear.scatter [tilespmem:s19], [sflag:$0x1], $0x80, $0x38;
	[tilespmem:$0x2000] =	vst v63  }
0x43: {  	s22 =	rddreg [dreg:$0xe]  }
0x44: {  	[hbm4b:s22+s2] =	stream.linear.scatter [tilespmem:s18], [sflag:$0x1], $0x80, $0x38;
	[tilespmem:$0x2000] =	vst v63  }
0x45: {  	s23 =	rddreg [dreg:$0xf]  }
0x46: {  	[hbm4b:s23+s2] =	stream.linear.scatter [tilespmem:s17], [sflag:$0x1], $0x80, $0x38;
	[tilespmem:$0x2000] =	vst v63  }
0x47: {  	s24 =	rddreg [dreg:$0x10]  }
0x48: {  	[hbm4b:s24+s2] =	stream.linear.scatter [tilespmem:s16], [sflag:$0x1], $0x80, $0x38;
	[tilespmem:$0x2000] =	vst v63  }
0x49: {  	s25 =	rddreg [dreg:$0x11]  }
0x4a: {  	[hbm4b:s25+s2] =	stream.linear.scatter [tilespmem:s15], [sflag:$0x1], $0x80, $0x38;
	[tilespmem:$0x2000] =	vst v63  }
0x4b: {  	s26 =	rddreg [dreg:$0x12]  }
0x4c: {  	[hbm4b:s26+s2] =	stream.linear.scatter [tilespmem:s14], [sflag:$0x1], $0x80, $0x38;
	[tilespmem:$0x2000] =	vst v63  }
0x4d: {  	s16 =	rddreg [dreg:$0x13]  }
0x4e: {  	[hbm4b:s16+s2] =	stream.linear.scatter [tilespmem:s13], [sflag:$0x1], $0x80, $0x38;
	[tilespmem:$0x2000] =	vst v63  }
0x4f: {  	s17 =	rddreg [dreg:$0x14]  }
0x50: {  	[hbm4b:s17+s2] =	stream.linear.scatter [tilespmem:s12], [sflag:$0x1], $0x80, $0x38;
	[tilespmem:$0x2000] =	vst v63  }
0x51: {  	s18 =	rddreg [dreg:$0x15]  }
0x52: {  	[hbm4b:s18+s2] =	stream.linear.scatter [tilespmem:s10], [sflag:$0x1], $0x80, $0x38;
	[tilespmem:$0x2000] =	vst v63  }
0x53: {  	s19 =	rddreg [dreg:$0x16]  }
0x54: {  	[hbm4b:s19+s2] =	stream.linear.scatter [tilespmem:s8], [sflag:$0x1], $0x80, $0x38;
	[tilespmem:$0x2000] =	vst v63  }
0x55: {  	s20 =	rddreg [dreg:$0x17]  }
0x56: {  	[hbm4b:s20+s2] =	stream.linear.scatter [tilespmem:s6], [sflag:$0x1], $0x80, $0x38;
	[tilespmem:$0x2000] =	vst v63  }
0x57: {  	s21 =	rddreg [dreg:$0x18]  }
0x58: {  	[hbm4b:s21+s2] =	stream.linear.scatter [tilespmem:s11], [sflag:$0x1], $0x80, $0x38;
	[tilespmem:$0x2000] =	vst v63  }
0x59: {  	s22 =	rddreg [dreg:$0x19]  }
0x5a: {  	[hbm4b:s22+s2] =	stream.linear.scatter [tilespmem:s9], [sflag:$0x1], $0x80, $0x38;
	[tilespmem:$0x2000] =	vst v63  }
0x5b: {  	s23 =	rddreg [dreg:$0x1a]  }
0x5c: {  	[hbm4b:s23+s2] =	stream.linear.scatter [tilespmem:s7], [sflag:$0x1], $0x80, $0x38;
	[tilespmem:$0x2000] =	vst v63  }
0x5d: {  	s24 =	rddreg [dreg:$0x1b]  }
0x5e: {  	[hbm4b:s24+s2] =	stream.linear.scatter [tilespmem:s4], [sflag:$0x1], $0x80, $0x38;
	[tilespmem:$0x2000] =	vst v63  }
0x5f: {  	s25 =	rddreg [dreg:$0x1c]  }
0x60: {  	[hbm4b:s25+s2] =	stream.linear.scatter [tilespmem:s5], [sflag:$0x1], $0x80, $0x38;
	[tilespmem:$0x2000] =	vst v63  }
0x61: {  	_ =	swait.ge [sflag:s3], $0x80  }
0x62: {  	[sflag:s3] =	ssyncset.done $0x0  }
0x63: {  	[sflag:s3] =	ssyncadd.s32 $0xFFFFFF80  }
0x64: {  	_ =	swait.ge [sflag:s3], $0x80  }
0x65: {  	[sflag:s3] =	ssyncset.done $0x0  }
0x66: {  	[sflag:s3] =	ssyncadd.s32 $0xFFFFFF80  }
0x67: {  	_ =	swait.ge [sflag:s3], $0x80  }
0x68: {  	[sflag:s3] =	ssyncset.done $0x0  }
0x69: {  	[sflag:s3] =	ssyncadd.s32 $0xFFFFFF80  }
0x6a: {  	_ =	swait.ge [sflag:s3], $0x80  }
0x6b: {  	[sflag:s3] =	ssyncset.done $0x0  }
0x6c: {  	[sflag:s3] =	ssyncadd.s32 $0xFFFFFF80  }
0x6d: {  	_ =	swait.ge [sflag:s3], $0x80  }
0x6e: {  	[sflag:s3] =	ssyncset.done $0x0  }
0x6f: {  	[sflag:s3] =	ssyncadd.s32 $0xFFFFFF80  }
0x70: {  	_ =	swait.ge [sflag:s3], $0x80  }
0x71: {  	[sflag:s3] =	ssyncset.done $0x0  }
0x72: {  	[sflag:s3] =	ssyncadd.s32 $0xFFFFFF80  }
0x73: {  	_ =	swait.ge [sflag:s3], $0x80  }
0x74: {  	[sflag:s3] =	ssyncset.done $0x0  }
0x75: {  	[sflag:s3] =	ssyncadd.s32 $0xFFFFFF80  }
0x76: {  	_ =	swait.ge [sflag:s3], $0x80  }
0x77: {  	[sflag:s3] =	ssyncset.done $0x0  }
0x78: {  	[sflag:s3] =	ssyncadd.s32 $0xFFFFFF80  }
0x79: {  	_ =	swait.ge [sflag:s3], $0x80  }
0x7a: {  	[sflag:s3] =	ssyncset.done $0x0  }
0x7b: {  	[sflag:s3] =	ssyncadd.s32 $0xFFFFFF80  }
0x7c: {  	_ =	swait.ge [sflag:s3], $0x80  }
0x7d: {  	[sflag:s3] =	ssyncset.done $0x0  }
0x7e: {  	[sflag:s3] =	ssyncadd.s32 $0xFFFFFF80  }
0x7f: {  	_ =	swait.ge [sflag:s3], $0x80  }
0x80: {  	[sflag:s3] =	ssyncset.done $0x0  }
0x81: {  	[sflag:s3] =	ssyncadd.s32 $0xFFFFFF80  }
0x82: {  	_ =	swait.ge [sflag:s3], $0x80  }
0x83: {  	[sflag:s3] =	ssyncset.done $0x0  }
0x84: {  	[sflag:s3] =	ssyncadd.s32 $0xFFFFFF80  }
0x85: {  	_ =	swait.ge [sflag:s3], $0x80  }
0x86: {  	[sflag:s3] =	ssyncset.done $0x0  }
0x87: {  	[sflag:s3] =	ssyncadd.s32 $0xFFFFFF80  }
0x88: {  	_ =	swait.ge [sflag:s3], $0x80  }
0x89: {  	[sflag:s3] =	ssyncset.done $0x0  }
0x8a: {  	[sflag:s3] =	ssyncadd.s32 $0xFFFFFF80  }
0x8b: {  	_ =	swait.ge [sflag:s3], $0x80  }
0x8c: {  	[sflag:s3] =	ssyncset.done $0x0  }
0x8d: {  	[sflag:s3] =	ssyncadd.s32 $0xFFFFFF80  }
0x8e: {  	_ =	swait.ge [sflag:s3], $0x80  }
0x8f: {  	[sflag:s3] =	ssyncset.done $0x0  }
0x90: {  	[sflag:s3] =	ssyncadd.s32 $0xFFFFFF80  }
0x91: {  	_ =	swait.ge [sflag:s3], $0x80  }
0x92: {  	[sflag:s3] =	ssyncset.done $0x0  }
0x93: {  	[sflag:s3] =	ssyncadd.s32 $0xFFFFFF80  }
0x94: {  	_ =	swait.ge [sflag:s3], $0x80  }
0x95: {  	[sflag:s3] =	ssyncset.done $0x0  }
0x96: {  	[sflag:s3] =	ssyncadd.s32 $0xFFFFFF80  }
0x97: {  	_ =	swait.ge [sflag:s3], $0x80  }
0x98: {  	[sflag:s3] =	ssyncset.done $0x0  }
0x99: {  	[sflag:s3] =	ssyncadd.s32 $0xFFFFFF80  }
0x9a: {  	_ =	swait.ge [sflag:s3], $0x80  }
0x9b: {  	[sflag:s3] =	ssyncset.done $0x0  }
0x9c: {  	[sflag:s3] =	ssyncadd.s32 $0xFFFFFF80  }
0x9d: {  	_ =	swait.ge [sflag:s3], $0x80  }
0x9e: {  	[sflag:s3] =	ssyncset.done $0x0  }
0x9f: {  	[sflag:s3] =	ssyncadd.s32 $0xFFFFFF80  }
0xa0: {  	_ =	swait.ge [sflag:s3], $0x80  }
0xa1: {  	[sflag:s3] =	ssyncset.done $0x0  }
0xa2: {  	[sflag:s3] =	ssyncadd.s32 $0xFFFFFF80  }
0xa3: {  	p0 =	por $0x1, $0x1;
	s30 =	simm.s32 $0x1080;
	_ =	swait.ge [sflag:s3], $0x80  }
0xa4: {  	s29 =	simm.s32 $0x1100;
	s28 =	simm.s32 $0x1180;
	[sflag:s3] =	ssyncset.done $0x0  }
0xa5: {  	s15 =	simm.s32 $0x1780;
	s14 =	simm.s32 $0x1800;
	[sflag:s3] =	ssyncadd.s32 $0xFFFFFF80  }
0xa6: {  	s16 =	simm.s32 $0x1700;
	s13 =	simm.s32 $0x1880;
	_ =	swait.ge [sflag:s3], $0x80  }
0xa7: {  	s17 =	simm.s32 $0x1680;
	s12 =	simm.s32 $0x1A80;
	[sflag:s3] =	ssyncset.done $0x0  }
0xa8: {  	s18 =	simm.s32 $0x1600;
	s10 =	simm.s32 $0x1B00;
	[sflag:s3] =	ssyncadd.s32 $0xFFFFFF80  }
0xa9: {  	s19 =	simm.s32 $0x1580;
	s8 =	simm.s32 $0x1B80;
	_ =	swait.ge [sflag:s3], $0x80  }
0xaa: {  	s6 =	simm.s32 $0x1000;
	s20 =	simm.s32 $0x1500;
	s26 =	rddreg [dreg:$0x1d]  }
0xab: {  	s21 =	simm.s32 $0x1480;
	s11 =	simm.s32 $0x1900;
	p1 =	sne.s32 s26, $0x1  }
.Ltmp1:
0xac: {  	s22 =	simm.s32 $0x1400;
	s9 =	simm.s32 $0x1980;
	(pc) =	sbr.rel @!p1 .LBB2_2-.Ltmp1, $4  }
0xad: {  	s23 =	simm.s32 $0x1380;
	s7 =	simm.s32 $0x1A00;
	[sflag:s3] =	ssyncset.done $0x0  }
0xae: {  	s24 =	simm.s32 $0x1300;
	s25 =	simm.s32 $0x1280;
	[sflag:s3] =	ssyncadd.s32 $0xFFFFFF80  }
0xaf: {  	s5 =	simm.s32 $0x1C00;
	s1 =	sadd.s32 $0xFFFFFFFF, s26;
	_ =	swait.ge [sflag:s3], $0x80  }
0xb0: {  	s26 =	simm.s32 $0x1200;
	s0 =	rddreg [dreg:$0x2];
	[sflag:s3] =	ssyncset.done $0x0  }
.LBB2_3:
0xb1: {  	[sflag:s3] =	ssyncadd.s32 $0xFFFFFF80  }
0xb2: {  	[tilespmem:s2], [sflag:$0x2] =	stream.linear.gather [hbm4b:s0+s2], $0xD00, $0x38;
	[tilespmem:$0x2000] =	vst v63  }
0xb3: {  	_ =	swait.ge [sflag:s31], $0xD00  }
0xb4: {  	[sflag:s31] =	ssyncset.done $0x0  }
0xb5: {  	s0 =	rddreg [dreg:$0x3];
	[sflag:s31] =	ssyncadd.s32 $0xFFFFF300  }
0xb6: {  	[hbm4b:s0+s2] =	stream.linear.scatter [tilespmem:s6], [sflag:$0x1], $0x80, $0x38;
	[tilespmem:$0x2000] =	vst v63  }
0xb7: {  	s4 =	rddreg [dreg:$0x4]  }
0xb8: {  	[hbm4b:s4+s2] =	stream.linear.scatter [tilespmem:s30], [sflag:$0x1], $0x80, $0x38;
	[tilespmem:$0x2000] =	vst v63  }
0xb9: {  	s0 =	rddreg [dreg:$0x5]  }
0xba: {  	[hbm4b:s0+s2] =	stream.linear.scatter [tilespmem:s29], [sflag:$0x1], $0x80, $0x38;
	[tilespmem:$0x2000] =	vst v63  }
0xbb: {  	s4 =	rddreg [dreg:$0x6]  }
0xbc: {  	[hbm4b:s4+s2] =	stream.linear.scatter [tilespmem:s28], [sflag:$0x1], $0x80, $0x38;
	[tilespmem:$0x2000] =	vst v63  }
0xbd: {  	s0 =	rddreg [dreg:$0x7]  }
0xbe: {  	[hbm4b:s0+s2] =	stream.linear.scatter [tilespmem:s26], [sflag:$0x1], $0x80, $0x38;
	[tilespmem:$0x2000] =	vst v63  }
0xbf: {  	s4 =	rddreg [dreg:$0x8]  }
0xc0: {  	[hbm4b:s4+s2] =	stream.linear.scatter [tilespmem:s25], [sflag:$0x1], $0x80, $0x38;
	[tilespmem:$0x2000] =	vst v63  }
0xc1: {  	s0 =	rddreg [dreg:$0x9]  }
0xc2: {  	[hbm4b:s0+s2] =	stream.linear.scatter [tilespmem:s24], [sflag:$0x1], $0x80, $0x38;
	[tilespmem:$0x2000] =	vst v63  }
0xc3: {  	s4 =	rddreg [dreg:$0xa]  }
0xc4: {  	[hbm4b:s4+s2] =	stream.linear.scatter [tilespmem:s23], [sflag:$0x1], $0x80, $0x38;
	[tilespmem:$0x2000] =	vst v63  }
0xc5: {  	s0 =	rddreg [dreg:$0xb]  }
0xc6: {  	[hbm4b:s0+s2] =	stream.linear.scatter [tilespmem:s22], [sflag:$0x1], $0x80, $0x38;
	[tilespmem:$0x2000] =	vst v63  }
0xc7: {  	s4 =	rddreg [dreg:$0xc]  }
0xc8: {  	[hbm4b:s4+s2] =	stream.linear.scatter [tilespmem:s21], [sflag:$0x1], $0x80, $0x38;
	[tilespmem:$0x2000] =	vst v63  }
0xc9: {  	s0 =	rddreg [dreg:$0xd]  }
0xca: {  	[hbm4b:s0+s2] =	stream.linear.scatter [tilespmem:s20], [sflag:$0x1], $0x80, $0x38;
	[tilespmem:$0x2000] =	vst v63  }
0xcb: {  	s4 =	rddreg [dreg:$0xe]  }
0xcc: {  	[hbm4b:s4+s2] =	stream.linear.scatter [tilespmem:s19], [sflag:$0x1], $0x80, $0x38;
	[tilespmem:$0x2000] =	vst v63  }
0xcd: {  	s0 =	rddreg [dreg:$0xf]  }
0xce: {  	[hbm4b:s0+s2] =	stream.linear.scatter [tilespmem:s18], [sflag:$0x1], $0x80, $0x38;
	[tilespmem:$0x2000] =	vst v63  }
0xcf: {  	s4 =	rddreg [dreg:$0x10]  }
0xd0: {  	[hbm4b:s4+s2] =	stream.linear.scatter [tilespmem:s17], [sflag:$0x1], $0x80, $0x38;
	[tilespmem:$0x2000] =	vst v63  }
0xd1: {  	s0 =	rddreg [dreg:$0x11]  }
0xd2: {  	[hbm4b:s0+s2] =	stream.linear.scatter [tilespmem:s16], [sflag:$0x1], $0x80, $0x38;
	[tilespmem:$0x2000] =	vst v63  }
0xd3: {  	s4 =	rddreg [dreg:$0x12]  }
0xd4: {  	[hbm4b:s4+s2] =	stream.linear.scatter [tilespmem:s15], [sflag:$0x1], $0x80, $0x38;
	[tilespmem:$0x2000] =	vst v63  }
0xd5: {  	s0 =	rddreg [dreg:$0x13]  }
0xd6: {  	[hbm4b:s0+s2] =	stream.linear.scatter [tilespmem:s14], [sflag:$0x1], $0x80, $0x38;
	[tilespmem:$0x2000] =	vst v63  }
0xd7: {  	s4 =	rddreg [dreg:$0x14]  }
0xd8: {  	[hbm4b:s4+s2] =	stream.linear.scatter [tilespmem:s13], [sflag:$0x1], $0x80, $0x38;
	[tilespmem:$0x2000] =	vst v63  }
0xd9: {  	s0 =	rddreg [dreg:$0x15]  }
0xda: {  	[hbm4b:s0+s2] =	stream.linear.scatter [tilespmem:s11], [sflag:$0x1], $0x80, $0x38;
	[tilespmem:$0x2000] =	vst v63  }
0xdb: {  	s4 =	rddreg [dreg:$0x16]  }
0xdc: {  	[hbm4b:s4+s2] =	stream.linear.scatter [tilespmem:s9], [sflag:$0x1], $0x80, $0x38;
	[tilespmem:$0x2000] =	vst v63  }
0xdd: {  	s0 =	rddreg [dreg:$0x17]  }
0xde: {  	[hbm4b:s0+s2] =	stream.linear.scatter [tilespmem:s7], [sflag:$0x1], $0x80, $0x38;
	[tilespmem:$0x2000] =	vst v63  }
0xdf: {  	s4 =	rddreg [dreg:$0x18]  }
0xe0: {  	[hbm4b:s4+s2] =	stream.linear.scatter [tilespmem:s12], [sflag:$0x1], $0x80, $0x38;
	[tilespmem:$0x2000] =	vst v63  }
0xe1: {  	s0 =	rddreg [dreg:$0x19]  }
0xe2: {  	[hbm4b:s0+s2] =	stream.linear.scatter [tilespmem:s10], [sflag:$0x1], $0x80, $0x38;
	[tilespmem:$0x2000] =	vst v63  }
0xe3: {  	s4 =	rddreg [dreg:$0x1a]  }
0xe4: {  	[hbm4b:s4+s2] =	stream.linear.scatter [tilespmem:s8], [sflag:$0x1], $0x80, $0x38;
	[tilespmem:$0x2000] =	vst v63  }
0xe5: {  	s0 =	rddreg [dreg:$0x1b]  }
0xe6: {  	[hbm4b:s0+s2] =	stream.linear.scatter [tilespmem:s5], [sflag:$0x1], $0x80, $0x38;
	[tilespmem:$0x2000] =	vst v63  }
0xe7: {  	s4 =	rddreg [dreg:$0x1c];
	s0 =	simm.s32 $0x1C80  }
0xe8: {  	[hbm4b:s4+s2] =	stream.linear.scatter [tilespmem:s0], [sflag:$0x1], $0x80, $0x38;
	[tilespmem:$0x2000] =	vst v63  }
0xe9: {  	_ =	swait.ge [sflag:s3], $0x80  }
0xea: {  	[sflag:s3] =	ssyncset.done $0x0  }
0xeb: {  	[sflag:s3] =	ssyncadd.s32 $0xFFFFFF80  }
0xec: {  	_ =	swait.ge [sflag:s3], $0x80  }
0xed: {  	[sflag:s3] =	ssyncset.done $0x0  }
0xee: {  	[sflag:s3] =	ssyncadd.s32 $0xFFFFFF80  }
0xef: {  	_ =	swait.ge [sflag:s3], $0x80  }
0xf0: {  	[sflag:s3] =	ssyncset.done $0x0  }
0xf1: {  	[sflag:s3] =	ssyncadd.s32 $0xFFFFFF80  }
0xf2: {  	_ =	swait.ge [sflag:s3], $0x80  }
0xf3: {  	[sflag:s3] =	ssyncset.done $0x0  }
0xf4: {  	[sflag:s3] =	ssyncadd.s32 $0xFFFFFF80  }
0xf5: {  	_ =	swait.ge [sflag:s3], $0x80  }
0xf6: {  	[sflag:s3] =	ssyncset.done $0x0  }
0xf7: {  	[sflag:s3] =	ssyncadd.s32 $0xFFFFFF80  }
0xf8: {  	_ =	swait.ge [sflag:s3], $0x80  }
0xf9: {  	[sflag:s3] =	ssyncset.done $0x0  }
0xfa: {  	[sflag:s3] =	ssyncadd.s32 $0xFFFFFF80  }
0xfb: {  	_ =	swait.ge [sflag:s3], $0x80  }
0xfc: {  	[sflag:s3] =	ssyncset.done $0x0  }
0xfd: {  	[sflag:s3] =	ssyncadd.s32 $0xFFFFFF80  }
0xfe: {  	_ =	swait.ge [sflag:s3], $0x80  }
0xff: {  	[sflag:s3] =	ssyncset.done $0x0  }
0x100: {  	[sflag:s3] =	ssyncadd.s32 $0xFFFFFF80  }
0x101: {  	_ =	swait.ge [sflag:s3], $0x80  }
0x102: {  	[sflag:s3] =	ssyncset.done $0x0  }
0x103: {  	[sflag:s3] =	ssyncadd.s32 $0xFFFFFF80  }
0x104: {  	_ =	swait.ge [sflag:s3], $0x80  }
0x105: {  	[sflag:s3] =	ssyncset.done $0x0  }
0x106: {  	[sflag:s3] =	ssyncadd.s32 $0xFFFFFF80  }
0x107: {  	_ =	swait.ge [sflag:s3], $0x80  }
0x108: {  	[sflag:s3] =	ssyncset.done $0x0  }
0x109: {  	[sflag:s3] =	ssyncadd.s32 $0xFFFFFF80  }
0x10a: {  	_ =	swait.ge [sflag:s3], $0x80  }
0x10b: {  	[sflag:s3] =	ssyncset.done $0x0  }
0x10c: {  	[sflag:s3] =	ssyncadd.s32 $0xFFFFFF80  }
0x10d: {  	_ =	swait.ge [sflag:s3], $0x80  }
0x10e: {  	[sflag:s3] =	ssyncset.done $0x0  }
0x10f: {  	[sflag:s3] =	ssyncadd.s32 $0xFFFFFF80  }
0x110: {  	_ =	swait.ge [sflag:s3], $0x80  }
0x111: {  	[sflag:s3] =	ssyncset.done $0x0  }
0x112: {  	[sflag:s3] =	ssyncadd.s32 $0xFFFFFF80  }
0x113: {  	_ =	swait.ge [sflag:s3], $0x80  }
0x114: {  	[sflag:s3] =	ssyncset.done $0x0  }
0x115: {  	[sflag:s3] =	ssyncadd.s32 $0xFFFFFF80  }
0x116: {  	_ =	swait.ge [sflag:s3], $0x80  }
0x117: {  	[sflag:s3] =	ssyncset.done $0x0  }
0x118: {  	[sflag:s3] =	ssyncadd.s32 $0xFFFFFF80  }
0x119: {  	_ =	swait.ge [sflag:s3], $0x80  }
0x11a: {  	[sflag:s3] =	ssyncset.done $0x0  }
0x11b: {  	[sflag:s3] =	ssyncadd.s32 $0xFFFFFF80  }
0x11c: {  	_ =	swait.ge [sflag:s3], $0x80  }
0x11d: {  	[sflag:s3] =	ssyncset.done $0x0  }
0x11e: {  	[sflag:s3] =	ssyncadd.s32 $0xFFFFFF80  }
0x11f: {  	_ =	swait.ge [sflag:s3], $0x80  }
0x120: {  	[sflag:s3] =	ssyncset.done $0x0  }
0x121: {  	[sflag:s3] =	ssyncadd.s32 $0xFFFFFF80  }
0x122: {  	_ =	swait.ge [sflag:s3], $0x80  }
0x123: {  	[sflag:s3] =	ssyncset.done $0x0  }
0x124: {  	[sflag:s3] =	ssyncadd.s32 $0xFFFFFF80  }
0x125: {  	_ =	swait.ge [sflag:s3], $0x80  }
0x126: {  	[sflag:s3] =	ssyncset.done $0x0  }
0x127: {  	[sflag:s3] =	ssyncadd.s32 $0xFFFFFF80  }
0x128: {  	_ =	swait.ge [sflag:s3], $0x80  }
0x129: {  	[sflag:s3] =	ssyncset.done $0x0  }
0x12a: {  	[sflag:s3] =	ssyncadd.s32 $0xFFFFFF80  }
0x12b: {  	_ =	swait.ge [sflag:s3], $0x80  }
0x12c: {  	[sflag:s3] =	ssyncset.done $0x0  }
0x12d: {  	[sflag:s3] =	ssyncadd.s32 $0xFFFFFF80  }
0x12e: {  	_ =	swait.ge [sflag:s3], $0x80  }
0x12f: {  	[sflag:s3] =	ssyncset.done $0x0  }
0x130: {  	p1 =	sne.s32 s1, $0x1;
	[sflag:s3] =	ssyncadd.s32 $0xFFFFFF80  }
.Ltmp2:
0x131: {  	_ =	swait.ge [sflag:s3], $0x80;
	(pc) =	sbr.rel @p1 .LBB2_3-.Ltmp2, $4  }
0x132: {  	[sflag:s3] =	ssyncset.done $0x0  }
0x133: {  	[sflag:s3] =	ssyncadd.s32 $0xFFFFFF80  }
0x134: {  	_ =	swait.ge [sflag:s3], $0x80  }
0x135: {  	s1 =	sadd.s32 $0xFFFFFFFF, s1;
	s0 =	rddreg [dreg:$0x2];
	[sflag:s3] =	ssyncset.done $0x0  }
0x136: {  	s4 =	simm.s32 $0x1C00;
	s5 =	simm.s32 $0x1C80  }
0x137: {  	s6 =	simm.s32 $0x1A00;
	s7 =	simm.s32 $0x1B80;
	s8 =	simm.s32 $0x1980  }
0x138: {  	s9 =	simm.s32 $0x1B00;
	s10 =	simm.s32 $0x1900;
	s11 =	simm.s32 $0x1A80  }
0x139: {  	s12 =	simm.s32 $0x1880;
	s13 =	simm.s32 $0x1800;
	s14 =	simm.s32 $0x1780  }
0x13a: {  	s15 =	simm.s32 $0x1700;
	s16 =	simm.s32 $0x1680;
	s17 =	simm.s32 $0x1600  }
0x13b: {  	s18 =	simm.s32 $0x1580;
	s19 =	simm.s32 $0x1500;
	s20 =	simm.s32 $0x1480  }
0x13c: {  	s21 =	simm.s32 $0x1400;
	s22 =	simm.s32 $0x1380;
	s23 =	simm.s32 $0x1300  }
0x13d: {  	s24 =	simm.s32 $0x1280;
	s25 =	simm.s32 $0x1200;
	s26 =	simm.s32 $0x1180  }
0x13e: {  	s28 =	simm.s32 $0x1100;
	s29 =	simm.s32 $0x1080;
	s30 =	simm.s32 $0x1000  }
.LBB2_5:
0x13f: {  	[sflag:s3] =	ssyncadd.s32 @p0 $0xFFFFFF80  }
0x140: {  	[tilespmem:s2], [sflag:$0x2] =	stream.linear.gather [hbm4b:s0+s2], $0xD00, $0x38;
	[tilespmem:$0x2000] =	vst v63  }
0x141: {  	_ =	swait.ge [sflag:s31], $0xD00  }
0x142: {  	[sflag:s31] =	ssyncset.done $0x0  }
0x143: {  	s0 =	rddreg [dreg:$0x3];
	[sflag:s31] =	ssyncadd.s32 $0xFFFFF300  }
0x144: {  	[hbm4b:s0+s2] =	stream.linear.scatter [tilespmem:s30], [sflag:$0x1], $0x80, $0x38;
	[tilespmem:$0x2000] =	vst v63  }
0x145: {  	s1 =	rddreg [dreg:$0x4]  }
0x146: {  	[hbm4b:s1+s2] =	stream.linear.scatter [tilespmem:s29], [sflag:$0x1], $0x80, $0x38;
	[tilespmem:$0x2000] =	vst v63  }
0x147: {  	s30 =	rddreg [dreg:$0x5]  }
0x148: {  	[hbm4b:s30+s2] =	stream.linear.scatter [tilespmem:s28], [sflag:$0x1], $0x80, $0x38;
	[tilespmem:$0x2000] =	vst v63  }
0x149: {  	s31 =	rddreg [dreg:$0x6]  }
0x14a: {  	[hbm4b:s31+s2] =	stream.linear.scatter [tilespmem:s26], [sflag:$0x1], $0x80, $0x38;
	[tilespmem:$0x2000] =	vst v63  }
0x14b: {  	s29 =	rddreg [dreg:$0x7]  }
0x14c: {  	[hbm4b:s29+s2] =	stream.linear.scatter [tilespmem:s25], [sflag:$0x1], $0x80, $0x38;
	[tilespmem:$0x2000] =	vst v63  }
0x14d: {  	s30 =	rddreg [dreg:$0x8]  }
0x14e: {  	[hbm4b:s30+s2] =	stream.linear.scatter [tilespmem:s24], [sflag:$0x1], $0x80, $0x38;
	[tilespmem:$0x2000] =	vst v63  }
0x14f: {  	s31 =	rddreg [dreg:$0x9]  }
0x150: {  	[hbm4b:s31+s2] =	stream.linear.scatter [tilespmem:s23], [sflag:$0x1], $0x80, $0x38;
	[tilespmem:$0x2000] =	vst v63  }
0x151: {  	s24 =	rddreg [dreg:$0xa]  }
0x152: {  	[hbm4b:s24+s2] =	stream.linear.scatter [tilespmem:s22], [sflag:$0x1], $0x80, $0x38;
	[tilespmem:$0x2000] =	vst v63  }
0x153: {  	s25 =	rddreg [dreg:$0xb]  }
0x154: {  	[hbm4b:s25+s2] =	stream.linear.scatter [tilespmem:s21], [sflag:$0x1], $0x80, $0x38;
	[tilespmem:$0x2000] =	vst v63  }
0x155: {  	s26 =	rddreg [dreg:$0xc]  }
0x156: {  	[hbm4b:s26+s2] =	stream.linear.scatter [tilespmem:s20], [sflag:$0x1], $0x80, $0x38;
	[tilespmem:$0x2000] =	vst v63  }
0x157: {  	s28 =	rddreg [dreg:$0xd]  }
0x158: {  	[hbm4b:s28+s2] =	stream.linear.scatter [tilespmem:s19], [sflag:$0x1], $0x80, $0x38;
	[tilespmem:$0x2000] =	vst v63  }
0x159: {  	s29 =	rddreg [dreg:$0xe]  }
0x15a: {  	[hbm4b:s29+s2] =	stream.linear.scatter [tilespmem:s18], [sflag:$0x1], $0x80, $0x38;
	[tilespmem:$0x2000] =	vst v63  }
0x15b: {  	s30 =	rddreg [dreg:$0xf]  }
0x15c: {  	[hbm4b:s30+s2] =	stream.linear.scatter [tilespmem:s17], [sflag:$0x1], $0x80, $0x38;
	[tilespmem:$0x2000] =	vst v63  }
0x15d: {  	s31 =	rddreg [dreg:$0x10]  }
0x15e: {  	[hbm4b:s31+s2] =	stream.linear.scatter [tilespmem:s16], [sflag:$0x1], $0x80, $0x38;
	[tilespmem:$0x2000] =	vst v63  }
0x15f: {  	s18 =	rddreg [dreg:$0x11]  }
0x160: {  	[hbm4b:s18+s2] =	stream.linear.scatter [tilespmem:s15], [sflag:$0x1], $0x80, $0x38;
	[tilespmem:$0x2000] =	vst v63  }
0x161: {  	s19 =	rddreg [dreg:$0x12]  }
0x162: {  	[hbm4b:s19+s2] =	stream.linear.scatter [tilespmem:s14], [sflag:$0x1], $0x80, $0x38;
	[tilespmem:$0x2000] =	vst v63  }
0x163: {  	s20 =	rddreg [dreg:$0x13]  }
0x164: {  	[hbm4b:s20+s2] =	stream.linear.scatter [tilespmem:s13], [sflag:$0x1], $0x80, $0x38;
	[tilespmem:$0x2000] =	vst v63  }
0x165: {  	s21 =	rddreg [dreg:$0x14]  }
0x166: {  	[hbm4b:s21+s2] =	stream.linear.scatter [tilespmem:s12], [sflag:$0x1], $0x80, $0x38;
	[tilespmem:$0x2000] =	vst v63  }
0x167: {  	s22 =	rddreg [dreg:$0x15]  }
0x168: {  	[hbm4b:s22+s2] =	stream.linear.scatter [tilespmem:s10], [sflag:$0x1], $0x80, $0x38;
	[tilespmem:$0x2000] =	vst v63  }
0x169: {  	s23 =	rddreg [dreg:$0x16]  }
0x16a: {  	[hbm4b:s23+s2] =	stream.linear.scatter [tilespmem:s8], [sflag:$0x1], $0x80, $0x38;
	[tilespmem:$0x2000] =	vst v63  }
0x16b: {  	s24 =	rddreg [dreg:$0x17]  }
0x16c: {  	[hbm4b:s24+s2] =	stream.linear.scatter [tilespmem:s6], [sflag:$0x1], $0x80, $0x38;
	[tilespmem:$0x2000] =	vst v63  }
0x16d: {  	s25 =	rddreg [dreg:$0x18]  }
0x16e: {  	[hbm4b:s25+s2] =	stream.linear.scatter [tilespmem:s11], [sflag:$0x1], $0x80, $0x38;
	[tilespmem:$0x2000] =	vst v63  }
0x16f: {  	s26 =	rddreg [dreg:$0x19]  }
0x170: {  	[hbm4b:s26+s2] =	stream.linear.scatter [tilespmem:s9], [sflag:$0x1], $0x80, $0x38;
	[tilespmem:$0x2000] =	vst v63  }
0x171: {  	s28 =	rddreg [dreg:$0x1a]  }
0x172: {  	[hbm4b:s28+s2] =	stream.linear.scatter [tilespmem:s7], [sflag:$0x1], $0x80, $0x38;
	[tilespmem:$0x2000] =	vst v63  }
0x173: {  	s29 =	rddreg [dreg:$0x1b]  }
0x174: {  	[hbm4b:s29+s2] =	stream.linear.scatter [tilespmem:s4], [sflag:$0x1], $0x80, $0x38;
	[tilespmem:$0x2000] =	vst v63  }
0x175: {  	s30 =	rddreg [dreg:$0x1c]  }
0x176: {  	[hbm4b:s30+s2] =	stream.linear.scatter [tilespmem:s5], [sflag:$0x1], $0x80, $0x38;
	[tilespmem:$0x2000] =	vst v63  }
0x177: {  	_ =	swait.ge [sflag:s3], $0x80  }
0x178: {  	[sflag:s3] =	ssyncset.done $0x0  }
0x179: {  	[sflag:s3] =	ssyncadd.s32 $0xFFFFFF80  }
0x17a: {  	_ =	swait.ge [sflag:s3], $0x80  }
0x17b: {  	[sflag:s3] =	ssyncset.done $0x0  }
0x17c: {  	[sflag:s3] =	ssyncadd.s32 $0xFFFFFF80  }
0x17d: {  	_ =	swait.ge [sflag:s3], $0x80  }
0x17e: {  	[sflag:s3] =	ssyncset.done $0x0  }
0x17f: {  	[sflag:s3] =	ssyncadd.s32 $0xFFFFFF80  }
0x180: {  	_ =	swait.ge [sflag:s3], $0x80  }
0x181: {  	[sflag:s3] =	ssyncset.done $0x0  }
0x182: {  	[sflag:s3] =	ssyncadd.s32 $0xFFFFFF80  }
0x183: {  	_ =	swait.ge [sflag:s3], $0x80  }
0x184: {  	[sflag:s3] =	ssyncset.done $0x0  }
0x185: {  	[sflag:s3] =	ssyncadd.s32 $0xFFFFFF80  }
0x186: {  	_ =	swait.ge [sflag:s3], $0x80  }
0x187: {  	[sflag:s3] =	ssyncset.done $0x0  }
0x188: {  	[sflag:s3] =	ssyncadd.s32 $0xFFFFFF80  }
0x189: {  	_ =	swait.ge [sflag:s3], $0x80  }
0x18a: {  	[sflag:s3] =	ssyncset.done $0x0  }
0x18b: {  	[sflag:s3] =	ssyncadd.s32 $0xFFFFFF80  }
0x18c: {  	_ =	swait.ge [sflag:s3], $0x80  }
0x18d: {  	[sflag:s3] =	ssyncset.done $0x0  }
0x18e: {  	[sflag:s3] =	ssyncadd.s32 $0xFFFFFF80  }
0x18f: {  	_ =	swait.ge [sflag:s3], $0x80  }
0x190: {  	[sflag:s3] =	ssyncset.done $0x0  }
0x191: {  	[sflag:s3] =	ssyncadd.s32 $0xFFFFFF80  }
0x192: {  	_ =	swait.ge [sflag:s3], $0x80  }
0x193: {  	[sflag:s3] =	ssyncset.done $0x0  }
0x194: {  	[sflag:s3] =	ssyncadd.s32 $0xFFFFFF80  }
0x195: {  	_ =	swait.ge [sflag:s3], $0x80  }
0x196: {  	[sflag:s3] =	ssyncset.done $0x0  }
0x197: {  	[sflag:s3] =	ssyncadd.s32 $0xFFFFFF80  }
0x198: {  	_ =	swait.ge [sflag:s3], $0x80  }
0x199: {  	[sflag:s3] =	ssyncset.done $0x0  }
0x19a: {  	[sflag:s3] =	ssyncadd.s32 $0xFFFFFF80  }
0x19b: {  	_ =	swait.ge [sflag:s3], $0x80  }
0x19c: {  	[sflag:s3] =	ssyncset.done $0x0  }
0x19d: {  	[sflag:s3] =	ssyncadd.s32 $0xFFFFFF80  }
0x19e: {  	_ =	swait.ge [sflag:s3], $0x80  }
0x19f: {  	[sflag:s3] =	ssyncset.done $0x0  }
0x1a0: {  	[sflag:s3] =	ssyncadd.s32 $0xFFFFFF80  }
0x1a1: {  	_ =	swait.ge [sflag:s3], $0x80  }
0x1a2: {  	[sflag:s3] =	ssyncset.done $0x0  }
0x1a3: {  	[sflag:s3] =	ssyncadd.s32 $0xFFFFFF80  }
0x1a4: {  	_ =	swait.ge [sflag:s3], $0x80  }
0x1a5: {  	[sflag:s3] =	ssyncset.done $0x0  }
0x1a6: {  	[sflag:s3] =	ssyncadd.s32 $0xFFFFFF80  }
0x1a7: {  	_ =	swait.ge [sflag:s3], $0x80  }
0x1a8: {  	[sflag:s3] =	ssyncset.done $0x0  }
0x1a9: {  	[sflag:s3] =	ssyncadd.s32 $0xFFFFFF80  }
0x1aa: {  	_ =	swait.ge [sflag:s3], $0x80  }
0x1ab: {  	[sflag:s3] =	ssyncset.done $0x0  }
0x1ac: {  	[sflag:s3] =	ssyncadd.s32 $0xFFFFFF80  }
0x1ad: {  	_ =	swait.ge [sflag:s3], $0x80  }
0x1ae: {  	[sflag:s3] =	ssyncset.done $0x0  }
0x1af: {  	[sflag:s3] =	ssyncadd.s32 $0xFFFFFF80  }
0x1b0: {  	_ =	swait.ge [sflag:s3], $0x80  }
0x1b1: {  	[sflag:s3] =	ssyncset.done $0x0  }
0x1b2: {  	[sflag:s3] =	ssyncadd.s32 $0xFFFFFF80  }
0x1b3: {  	_ =	swait.ge [sflag:s3], $0x80  }
0x1b4: {  	[sflag:s3] =	ssyncset.done $0x0  }
0x1b5: {  	[sflag:s3] =	ssyncadd.s32 $0xFFFFFF80  }
0x1b6: {  	_ =	swait.ge [sflag:s3], $0x80  }
0x1b7: {  	[sflag:s3] =	ssyncset.done $0x0  }
0x1b8: {  	[sflag:s3] =	ssyncadd.s32 $0xFFFFFF80  }
0x1b9: {  	_ =	swait.ge [sflag:s3], $0x80  }
0x1ba: {  	[sflag:s3] =	ssyncset.done $0x0  }
0x1bb: {  	[sflag:s3] =	ssyncadd.s32 $0xFFFFFF80  }
0x1bc: {  	_ =	swait.ge [sflag:s3], $0x80  }
0x1bd: {  	[sflag:s3] =	ssyncset.done $0x0  }
0x1be: {  	[sflag:s3] =	ssyncadd.s32 $0xFFFFFF80  }
0x1bf: {  	_ =	swait.ge [sflag:s3], $0x80  }
0x1c0: {  	[sflag:s3] =	ssyncset.done $0x0  }
0x1c1: {  	[sflag:s3] =	ssyncadd.s32 $0xFFFFFF80  }
0x1c2: {  	_ =	swait.ge [sflag:s3], $0x80  }
0x1c3: {  	[sflag:s3] =	ssyncset.done $0x0  }
0x1c4: {  	[sflag:s3] =	ssyncadd.s32 $0xFFFFFF80  }
0x1c5: {  	_ =	sfence.sel $0x180000  }
0x1c6: {  	[bflag:$0x0] =	sbarrier.arrive $0xFFFF  }
0x1c7: {  	_ =	strace $0x90000047  }
0x1c8: {  	s31 =	stileid.u32;
	[bflag:$0x2] =	sbarrier.arrive $0xFFFF  }
0x1c9: {  	p0 =	sne.s32 s31, $0x0;
	s0 =	rddreg [dreg:$0x1]  }
0x1ca: {  	s0 =	sadd.s32 @!p0 $0x100000, s0  }
0x1cb: {  	[sflag:s0] =	ssyncadd.tile.s32 @!p0 $0x1;
	_ =	shalt  }
.LBB2_2:
0x1cc: {  	s4 =	simm.s32 $0x1C00;
	s5 =	simm.s32 $0x1C80;
	s6 =	simm.s32 $0x1A00  }
0x1cd: {  	s7 =	simm.s32 $0x1B80;
	s8 =	simm.s32 $0x1980;
	s9 =	simm.s32 $0x1B00  }
0x1ce: {  	s10 =	simm.s32 $0x1900;
	s11 =	simm.s32 $0x1A80;
	s12 =	simm.s32 $0x1880  }
0x1cf: {  	s13 =	simm.s32 $0x1800;
	s14 =	simm.s32 $0x1780;
	s15 =	simm.s32 $0x1700  }
.Ltmp3:
0x1d0: {  	s16 =	simm.s32 $0x1680;
	s17 =	simm.s32 $0x1600;
	(pc) =	sbr.rel .LBB2_5-.Ltmp3, $4  }
0x1d1: {  	s18 =	simm.s32 $0x1580;
	s19 =	simm.s32 $0x1500;
	s20 =	simm.s32 $0x1480  }
0x1d2: {  	s21 =	simm.s32 $0x1400;
	s22 =	simm.s32 $0x1380;
	s23 =	simm.s32 $0x1300  }
0x1d3: {  	s24 =	simm.s32 $0x1280;
	s25 =	simm.s32 $0x1200;
	s26 =	simm.s32 $0x1180  }
0x1d4: {  	s28 =	simm.s32 $0x1100;
	s29 =	simm.s32 $0x1080;
	s30 =	simm.s32 $0x1000  }
.Lfunc_end2:
_tile_overlayer_lowered:
.L_overlay_start_2:
0x1d5: {  	(tag) =	ssettag $0x2  }
0x1d6: {  	s0 =	rddreg [dreg:$0x0];
	s2 =	stileid.u32  }
0x1d7: {  	s1 =	rddreg [dreg:$0x1];
	p0 =	sne.s32 s2, $0x0  }
0x1d8: {  	s3 =	rddreg [dreg:$0x2];
	[bflag:$0x3] =	sbarrier.arrive $0xFFFF;
	s2 =	simm.s32 @!p0 $0x1C02  }
0x1d9: {  	[timem:s3], [sflag:s2] =	dma.local @!p0 [hbm:s0], s1  }
0x1da: {  	s0 =	simm.s32 @!p0 $0x2  }
0x1db: {  	_ =	swait.ge @!p0 [sflag:s0], s1  }
0x1dc: {  	s1 =	ssub.s32 @!p0 $0x0, s1;
	[sflag:s0] =	ssyncset.done @!p0 $0x0  }
0x1dd: {  	[sflag:s0] =	ssyncadd.s32 @!p0 s1  }
0x1de: {  	[bflag:$0x3] =	sbarrier.arrive $0xFFFF  }
0x1df: {  	_ =	shalt  }

</sc_bundles>
